<compile_context>
chip_gen: v7x
topology: tpu7x:2x2x1
jax: 0.10.2.dev20260603
libtpu: 0.0.44.dev20260713+nightly
codegen_flags: <defaults>
</compile_context>

<pallas_src>
import functools

import jax
import jax.numpy as jnp
from jax import lax
from jax.experimental import pallas as pl
from jax.experimental.pallas import tpu as pltpu
from jax.experimental.pallas import tpu_sc as plsc

N = 10000
E = 320000
D = 128
DH = D // 2
NC = 2
NS = 16
NW = NC * NS
EPT = E // NW
CH = 128
NFH = EPT // CH
HTAIL = EPT - NFH * CH
GRP = 6
NGH = NFH // GRP
CA = 128
NFA = EPT // CA
TAIL = EPT - NFA * CA
NP = 10240
RPT = NP // NS
RC = 128
NRC = RPT // RC
BN_EPS = 1e-4

_mesh = plsc.VectorSubcoreMesh(core_axis_name="c", subcore_axis_name="s")
_sc_params = pltpu.CompilerParams(use_tc_tiling_on_sc=False,
                                  needs_layout_passes=False)


@functools.partial(
    pl.kernel,
    out_type=jax.ShapeDtypeStruct((NC, 2, NP, 16), jnp.float32),
    mesh=_mesh,
    compiler_params=_sc_params,
    scratch_types=[
        pltpu.VMEM((EPT,), jnp.int32),
        pltpu.VMEM((CH, 16), jnp.float32),
        pltpu.VMEM((RPT, 16), jnp.float32),
        pltpu.VMEM_SHARED((NP, 16), jnp.float32),
        pltpu.VMEM_SHARED((NP, 16), jnp.float32),
        pltpu.SemaphoreType.DMA,
    ],
)
def _sc_degrees(ei_hbm, deg_hbm, idx_v, ones_v, buf_v, degin_sh, degout_sh,
                sem):
    c = lax.axis_index("c")
    s = lax.axis_index("s")
    base = (c * NS + s) * EPT

    def fill(i, carry):
        buf_v[i, :] = jnp.zeros((16,), jnp.float32)
        return carry

    lax.fori_loop(0, RPT, fill, 0)

    def fill_ones(i, carry):
        ones_v[i, :] = jnp.ones((16,), jnp.float32)
        return carry

    lax.fori_loop(0, CH, fill_ones, 0)
    pltpu.sync_copy(buf_v, degin_sh.at[pl.ds(s * RPT, RPT)])
    pltpu.sync_copy(buf_v, degout_sh.at[pl.ds(s * RPT, RPT)])
    plsc.subcore_barrier()

    for row, deg_sh in ((1, degin_sh), (0, degout_sh)):
        pltpu.sync_copy(ei_hbm.at[row, pl.ds(base, EPT)], idx_v)

        def group(g, carry):
            for k in range(GRP):
                pltpu.async_copy(
                    ones_v, deg_sh.at[idx_v.at[pl.ds((g * GRP + k) * CH, CH)]],
                    sem, add=True)
            for k in range(GRP):
                pltpu.make_async_copy(ones_v,
                                      deg_sh.at[idx_v.at[pl.ds(0, CH)]],
                                      sem).wait()
            return carry

        lax.fori_loop(0, NGH, group, 0)
        pltpu.sync_copy(ones_v.at[pl.ds(0, HTAIL)],
                        deg_sh.at[idx_v.at[pl.ds(NFH * CH, HTAIL)]],
                        add=True)

    plsc.subcore_barrier()
    pltpu.sync_copy(degin_sh.at[pl.ds(s * RPT, RPT)],
                    deg_hbm.at[c, 0, pl.ds(s * RPT, RPT)])
    pltpu.sync_copy(degout_sh.at[pl.ds(s * RPT, RPT)],
                    deg_hbm.at[c, 1, pl.ds(s * RPT, RPT)])


@functools.partial(
    pl.kernel,
    out_type=jax.ShapeDtypeStruct((NC, NP, D), jnp.float32),
    mesh=_mesh,
    compiler_params=_sc_params,
    scratch_types=[
        pltpu.VMEM((EPT,), jnp.int32),
        pltpu.VMEM((EPT,), jnp.int32),
        pltpu.VMEM((CA, DH), jnp.float32),
        pltpu.VMEM((CA, DH), jnp.float32),
        pltpu.VMEM((RC, DH), jnp.float32),
        pltpu.VMEM_SHARED((NP, DH), jnp.float32),
        pltpu.SemaphoreType.DMA,
    ],
)
def _sc_aggregate(xs2_hbm, ei_hbm, agg_hbm, srcs_v, dsts_v, rows0_v, rows1_v,
                  buf_v, agg_sh, sem):
    c = lax.axis_index("c")
    s = lax.axis_index("s")
    base = (c * NS + s) * EPT
    pltpu.sync_copy(ei_hbm.at[0, pl.ds(base, EPT)], srcs_v)
    pltpu.sync_copy(ei_hbm.at[1, pl.ds(base, EPT)], dsts_v)

    def dbl(i, carry):
        srcs_v[pl.ds(i * 16, 16)] = srcs_v[pl.ds(i * 16, 16)] * 2
        return carry

    lax.fori_loop(0, EPT // 16, dbl, 0)

    def zb(i, carry):
        for j in range(DH // 16):
            buf_v[i, pl.ds(j * 16, 16)] = jnp.zeros((16,), jnp.float32)
        return carry

    def src_at(ch):
        return srcs_v.at[pl.ds(ch * CA, CA)]

    def dst_at(ch):
        return dsts_v.at[pl.ds(ch * CA, CA)]

    for half in (0, 1):
        if half == 1:
            def inc(i, carry):
                srcs_v[pl.ds(i * 16, 16)] = srcs_v[pl.ds(i * 16, 16)] + 1
                return carry

            lax.fori_loop(0, EPT // 16, inc, 0)

        lax.fori_loop(0, RC, zb, 0)
        for k in range(NRC):
            pltpu.sync_copy(buf_v, agg_sh.at[pl.ds(s * RPT + k * RC, RC)])
        plsc.subcore_barrier()

        pltpu.async_copy(xs2_hbm.at[src_at(0)], rows0_v, sem)

        def pair(h, carry):
            ch0 = 2 * h
            ch1 = ch0 + 1
            pltpu.async_copy(xs2_hbm.at[src_at(ch1)], rows1_v, sem)
            pltpu.make_async_copy(xs2_hbm.at[src_at(ch0)], rows0_v,
                                  sem).wait()
            pltpu.sync_copy(rows0_v, agg_sh.at[dst_at(ch0)], add=True)

            @pl.when(ch1 + 1 < NFA)
            def _():
                pltpu.async_copy(xs2_hbm.at[src_at(ch1 + 1)], rows0_v, sem)

            pltpu.make_async_copy(xs2_hbm.at[src_at(ch1)], rows1_v,
                                  sem).wait()
            pltpu.sync_copy(rows1_v, agg_sh.at[dst_at(ch1)], add=True)
            return carry

        lax.fori_loop(0, NFA // 2, pair, 0)
        tsrc = srcs_v.at[pl.ds(NFA * CA, TAIL)]
        tdst = dsts_v.at[pl.ds(NFA * CA, TAIL)]
        trows = rows0_v.at[pl.ds(0, TAIL)]
        pltpu.sync_copy(xs2_hbm.at[tsrc], trows)
        pltpu.sync_copy(trows, agg_sh.at[tdst], add=True)
        plsc.subcore_barrier()
        pltpu.sync_copy(agg_sh.at[pl.ds(s * RPT, RPT)],
                        agg_hbm.at[c, pl.ds(s * RPT, RPT),
                                   pl.ds(half * DH, DH)])
        plsc.subcore_barrier()


def _tc_prescale_body(x_ref, deg_ref, xs_ref):
    deg_out = deg_ref[0, 1, :N, 0:1] + deg_ref[1, 1, :N, 0:1]
    r_out = lax.rsqrt(jnp.maximum(deg_out, 1.0))
    xs_ref[...] = x_ref[...] * r_out


RB = 1000
NB = N // RB


def _tc_dense_body(agg_ref, deg_ref, x_ref, wg_ref, gb_ref, bb_ref, wf_ref,
                   bf_ref, o_ref, y_sc, sums_sc):
    p = pl.program_id(0)
    i = pl.program_id(1)

    @pl.when(p == 0)
    def _():
        @pl.when(i == 0)
        def _():
            sums_sc[...] = jnp.zeros_like(sums_sc)

        deg_in = deg_ref[0, 0, :, 0:1] + deg_ref[1, 0, :, 0:1]
        r_in = lax.rsqrt(jnp.maximum(deg_in, 1.0))
        agg = (agg_ref[0] + agg_ref[1]) * r_in
        y = jnp.dot(agg, wg_ref[...], preferred_element_type=jnp.float32)
        y_sc[pl.ds(i * RB, RB), :] = y
        sums_sc[0:1, :] += jnp.sum(y, axis=0, keepdims=True)
        sums_sc[1:2, :] += jnp.sum(y * y, axis=0, keepdims=True)

    @pl.when(p == 1)
    def _():
        y = y_sc[pl.ds(i * RB, RB), :]
        mean = sums_sc[0:1, :] * (1.0 / N)
        var = sums_sc[1:2, :] * (1.0 / N) - mean * mean
        yn = gb_ref[...] * (y - mean) * lax.rsqrt(var + BN_EPS) + bb_ref[...]
        film = jnp.dot(yn, wf_ref[...],
                       preferred_element_type=jnp.float32) + bf_ref[...]
        z = film[:, :D] * yn + film[:, D:]
        o_ref[...] = jnp.maximum(z, 0.0) + x_ref[...]


def kernel(x, edge_index, W_gcn, gamma_bn, beta_bn, W_film, b_film):
    ei = edge_index.astype(jnp.int32)
    deg = _sc_degrees(ei)
    xs = pl.pallas_call(
        _tc_prescale_body,
        out_shape=jax.ShapeDtypeStruct((N, D), jnp.float32),
    )(x, deg)
    agg = _sc_aggregate(xs.reshape(2 * N, DH), ei)
    out = pl.pallas_call(
        _tc_dense_body,
        grid=(2, NB),
        in_specs=[
            pl.BlockSpec((NC, RB, D), lambda p, i: (0, i * (1 - p), 0)),
            pl.BlockSpec((NC, 2, RB, 16), lambda p, i: (0, 0, i * (1 - p), 0)),
            pl.BlockSpec((RB, D), lambda p, i: (i * p, 0)),
            pl.BlockSpec((D, D), lambda p, i: (0, 0)),
            pl.BlockSpec((1, D), lambda p, i: (0, 0)),
            pl.BlockSpec((1, D), lambda p, i: (0, 0)),
            pl.BlockSpec((D, 2 * D), lambda p, i: (0, 0)),
            pl.BlockSpec((1, 2 * D), lambda p, i: (0, 0)),
        ],
        out_specs=pl.BlockSpec((RB, D), lambda p, i: (i * p, 0)),
        out_shape=jax.ShapeDtypeStruct((N, D), jnp.float32),
        scratch_shapes=[
            pltpu.VMEM((N, D), jnp.float32),
            pltpu.VMEM((8, D), jnp.float32),
        ],
    )(agg, deg, x, W_gcn, gamma_bn.reshape(1, D), beta_bn.reshape(1, D),
      W_film, b_film.reshape(1, 2 * D))
    return out

# --- scband reference (transcript-rebuilt; emitter-appended) ---
"""Pipeline reference for scband-block-2637109920088 (READ-ONLY COPY).

The authoritative reference and input builder live on the scoring server;
editing this copy changes nothing except your own understanding.
"""

import jax, jax.numpy as jnp
import numpy as np

N_NODES = 10000
N_EDGES = 320000
D_FEAT = 128
BN_EPS = 1e-4


def setup_inputs(seed: int = 0) -> dict:
    key = jax.random.key(seed)
    k_x, k_e, k_w, k_f = jax.random.split(key, 4)
    x = jax.random.normal(k_x, (N_NODES, D_FEAT), dtype=jnp.float32)
    edge_index = jax.random.randint(k_e, (2, N_EDGES), 0, N_NODES, dtype=jnp.int64)
    # Learned parameters
    W_gcn = jax.random.normal(k_w, (D_FEAT, D_FEAT), dtype=jnp.float32) * (1.0 / np.sqrt(D_FEAT))
    gamma_bn = jnp.ones((D_FEAT,), dtype=jnp.float32)
    beta_bn = jnp.zeros((D_FEAT,), dtype=jnp.float32)
    W_film = jax.random.normal(k_f, (D_FEAT, 2 * D_FEAT), dtype=jnp.float32) * (1.0 / np.sqrt(D_FEAT))
    b_film = jnp.zeros((2 * D_FEAT,), dtype=jnp.float32)
    return {"x": x, "edge_index": edge_index, "W_gcn": W_gcn, "gamma_bn": gamma_bn,
            "beta_bn": beta_bn, "W_film": W_film, "b_film": b_film}


def reference(x, edge_index, W_gcn, gamma_bn, beta_bn, W_film, b_film):
    # --- GCN: symmetric-normalized message passing followed by linear transform ---
    src = edge_index[0]
    dst = edge_index[1]
    n = x.shape[0]
    ones_e = jnp.ones((src.shape[0],), dtype=jnp.float32)
    deg_in = jax.ops.segment_sum(ones_e, dst, num_segments=n)
    deg_out = jax.ops.segment_sum(ones_e, src, num_segments=n)
    deg_in = jnp.maximum(deg_in, 1.0)
    deg_out = jnp.maximum(deg_out, 1.0)
    norm = jax.lax.rsqrt(deg_out[src] * deg_in[dst])  # [E]
    msgs = x[src] * norm[:, None]                      # gather + scale
    agg = jax.ops.segment_sum(msgs, dst, num_segments=n)  # scatter-add
    gcn_out = agg @ W_gcn
    # --- BatchNormalization(axis=1) in training mode: batch stats over node axis ---
    mean = jnp.mean(gcn_out, axis=0)
    var = jnp.var(gcn_out, axis=0)
    yblo = gamma_bn * (gcn_out - mean) * jax.lax.rsqrt(var + BN_EPS) + beta_bn
    # --- FiLM: predict per-node gamma/beta from normalized features ---
    film_out = yblo @ W_film + b_film
    gamma, beta = jnp.split(film_out, 2, axis=-1)
    zlbo = gamma * yblo + beta
    # --- ReLU + residual ---
    out = jax.nn.relu(zlbo) + x
    return out

if __name__ == "__main__":
    import jax
    _d = setup_inputs()
    print(jax.jit(kernel)(*tuple(_d.values())))

</pallas_src>

<mosaic_0001>
#map = affine_map<(d0, d1) -> (0, 0)>
#map1 = affine_map<(d0, d1) -> (0, 0, 0, 0)>
module attributes {stable_mosaic.version = 14 : i64} {
  func.func @_sc_degrees(%arg0: i32, %arg1: i32, %arg2: memref<2x320000xi32, #tpu.memory_space<hbm>>, %arg3: memref<2x2x10240x16xf32, #tpu.memory_space<hbm>>, %arg4: memref<10000xi32, #tpu.memory_space<vmem>>, %arg5: memref<128x16xf32, #tpu.memory_space<vmem>>, %arg6: memref<640x16xf32, #tpu.memory_space<vmem>>, %arg7: memref<10240x16xf32, #tpu.memory_space<vmem_shared>>, %arg8: memref<10240x16xf32, #tpu.memory_space<vmem_shared>>, %arg9: memref<!tpu.dma_semaphore, #tpu.memory_space<semaphore_mem>>) attributes {dimension_semantics = [#tpu.dimension_semantics<core_parallel>, #tpu.dimension_semantics<subcore_parallel>], iteration_bounds = array<i64: 2, 16>, scalar_prefetch = 0 : i64, scratch_operands = 6 : i64, tpu.core_type = #tpu.core_type<sc_vector_subcore>, window_params = [{transform_indices = #map}, {transform_indices = #map1}]} {
    %mul3A = arith.constant 16 : i32
    %mul3A_0 = arith.muli %arg0, %mul3A : i32
    %add3A = arith.addi %mul3A_0, %arg1 : i32
    %mul3A_1 = arith.constant 10000 : i32
    %mul3A_2 = arith.muli %add3A, %mul3A_1 : i32
    %scan3A = arith.constant 0 : i32
    %scan3A_3 = arith.constant 0 : i32
    %scan3A_4 = arith.constant 640 : i32
    %scan3A_5 = arith.addi %scan3A_3, %scan3A_4 : i32
    %scan3A_6 = arith.constant 1 : i32
    scf.for %scan3A_42 = %scan3A_3 to %scan3A_5 step %scan3A_6  : i32 {
      %broadcast_in_dim3A = arith.constant 0.000000e+00 : f32
      %broadcast_in_dim3A_43 = vector.broadcast %broadcast_in_dim3A : f32 to vector<16xf32>
      %swap3A = arith.index_cast %scan3A_42 : i32 to index
      %swap3A_44 = arith.constant 0 : index
      %swap3A_45 = tpu.vector_load %arg6[%swap3A, %swap3A_44] {strides = array<i32>} : memref<640x16xf32, #tpu.memory_space<vmem>>, vector<16xf32>,
      tpu.vector_store %arg6[%swap3A, %swap3A_44], %broadcast_in_dim3A_43 {strides = array<i32>} : memref<640x16xf32, #tpu.memory_space<vmem>>, vector<16xf32>,
    }
    %scan3A_7 = arith.constant 640 : i32
    %scan3A_8 = arith.constant 0 : i32
    %scan3A_9 = arith.constant 0 : i32
    %scan3A_10 = arith.constant 128 : i32
    %scan3A_11 = arith.addi %scan3A_9, %scan3A_10 : i32
    %scan3A_12 = arith.constant 1 : i32
    scf.for %scan3A_42 = %scan3A_9 to %scan3A_11 step %scan3A_12  : i32 {
      %broadcast_in_dim3A = arith.constant 1.000000e+00 : f32
      %broadcast_in_dim3A_43 = vector.broadcast %broadcast_in_dim3A : f32 to vector<16xf32>
      %swap3A = arith.index_cast %scan3A_42 : i32 to index
      %swap3A_44 = arith.constant 0 : index
      %swap3A_45 = tpu.vector_load %arg5[%swap3A, %swap3A_44] {strides = array<i32>} : memref<128x16xf32, #tpu.memory_space<vmem>>, vector<16xf32>,
      tpu.vector_store %arg5[%swap3A, %swap3A_44], %broadcast_in_dim3A_43 {strides = array<i32>} : memref<128x16xf32, #tpu.memory_space<vmem>>, vector<16xf32>,
    }
    %scan3A_13 = arith.constant 128 : i32
    %mul3A_14 = arith.constant 640 : i32
    %mul3A_15 = arith.muli %arg1, %mul3A_14 : i32
    "tpu.region"() ({
      %run_scoped3A_42 = tpu.sem_alloc : memref<!tpu.dma_semaphore, #tpu.memory_space<semaphore_mem>>
      %dma_start3A = arith.constant 0 : i32
      %dma_start3A_43 = tpu.memref_slice %arg7[%mul3A_15, %dma_start3A] : memref<10240x16xf32, #tpu.memory_space<vmem_shared>> -> memref<640x16xf32, #tpu.memory_space<vmem_shared>>
      %dma_start3A_44 = arith.constant 0 : i32
      %dma_start3A_45 = tpu.memref_slice %arg7[%mul3A_15, %dma_start3A_44] : memref<10240x16xf32, #tpu.memory_space<vmem_shared>> -> memref<640x16xf32, #tpu.memory_space<vmem_shared>>
      tpu.enqueue_dma source(%arg6 : memref<640x16xf32, #tpu.memory_space<vmem>>) target(%dma_start3A_45 : memref<640x16xf32, #tpu.memory_space<vmem_shared>>) target_semaphore(%run_scoped3A_42 : memref<!tpu.dma_semaphore, #tpu.memory_space<semaphore_mem>>)
      %dma_wait3A = arith.constant 0 : i32
      %dma_wait3A_46 = tpu.memref_slice %arg7[%mul3A_15, %dma_wait3A] : memref<10240x16xf32, #tpu.memory_space<vmem_shared>> -> memref<640x16xf32, #tpu.memory_space<vmem_shared>>
      %dma_wait3A_47 = arith.constant 0 : i32
      %dma_wait3A_48 = tpu.memref_slice %arg7[%mul3A_15, %dma_wait3A_47] : memref<10240x16xf32, #tpu.memory_space<vmem_shared>> -> memref<640x16xf32, #tpu.memory_space<vmem_shared>>
      tpu.wait_dma2 semaphore(%run_scoped3A_42 : memref<!tpu.dma_semaphore, #tpu.memory_space<semaphore_mem>>) src(%arg6 : memref<640x16xf32, #tpu.memory_space<vmem>>) dst(%dma_wait3A_48 : memref<640x16xf32, #tpu.memory_space<vmem_shared>>)
      tpu.yield
    }) : () -> ()
    %mul3A_16 = arith.constant 640 : i32
    %mul3A_17 = arith.muli %arg1, %mul3A_16 : i32
    "tpu.region"() ({
      %run_scoped3A_42 = tpu.sem_alloc : memref<!tpu.dma_semaphore, #tpu.memory_space<semaphore_mem>>
      %dma_start3A = arith.constant 0 : i32
      %dma_start3A_43 = tpu.memref_slice %arg8[%mul3A_17, %dma_start3A] : memref<10240x16xf32, #tpu.memory_space<vmem_shared>> -> memref<640x16xf32, #tpu.memory_space<vmem_shared>>
      %dma_start3A_44 = arith.constant 0 : i32
      %dma_start3A_45 = tpu.memref_slice %arg8[%mul3A_17, %dma_start3A_44] : memref<10240x16xf32, #tpu.memory_space<vmem_shared>> -> memref<640x16xf32, #tpu.memory_space<vmem_shared>>
      tpu.enqueue_dma source(%arg6 : memref<640x16xf32, #tpu.memory_space<vmem>>) target(%dma_start3A_45 : memref<640x16xf32, #tpu.memory_space<vmem_shared>>) target_semaphore(%run_scoped3A_42 : memref<!tpu.dma_semaphore, #tpu.memory_space<semaphore_mem>>)
      %dma_wait3A = arith.constant 0 : i32
      %dma_wait3A_46 = tpu.memref_slice %arg8[%mul3A_17, %dma_wait3A] : memref<10240x16xf32, #tpu.memory_space<vmem_shared>> -> memref<640x16xf32, #tpu.memory_space<vmem_shared>>
      %dma_wait3A_47 = arith.constant 0 : i32
      %dma_wait3A_48 = tpu.memref_slice %arg8[%mul3A_17, %dma_wait3A_47] : memref<10240x16xf32, #tpu.memory_space<vmem_shared>> -> memref<640x16xf32, #tpu.memory_space<vmem_shared>>
      tpu.wait_dma2 semaphore(%run_scoped3A_42 : memref<!tpu.dma_semaphore, #tpu.memory_space<semaphore_mem>>) src(%arg6 : memref<640x16xf32, #tpu.memory_space<vmem>>) dst(%dma_wait3A_48 : memref<640x16xf32, #tpu.memory_space<vmem_shared>>)
      tpu.yield
    }) : () -> ()
    %barrier3A = arith.constant 0 : index
    tpu.barrier barrier_id(%barrier3A)
    %run_scoped3A = arith.constant 1 : i32
    "tpu.region"() ({
      %run_scoped3A_42 = tpu.sem_alloc : memref<!tpu.dma_semaphore, #tpu.memory_space<semaphore_mem>>
      %dma_start3A = tpu.memref_slice %arg2[%run_scoped3A, %mul3A_2] : memref<2x320000xi32, #tpu.memory_space<hbm>> -> memref<1x10000xi32, #tpu.memory_space<hbm>>
      %dma_start3A_43 = tpu.memref_squeeze %dma_start3A : memref<1x10000xi32, #tpu.memory_space<hbm>> -> memref<10000xi32, #tpu.memory_space<hbm>>
      %dma_start3A_44 = tpu.memref_slice %arg2[%run_scoped3A, %mul3A_2] : memref<2x320000xi32, #tpu.memory_space<hbm>> -> memref<1x10000xi32, #tpu.memory_space<hbm>>
      %dma_start3A_45 = tpu.memref_squeeze %dma_start3A_44 : memref<1x10000xi32, #tpu.memory_space<hbm>> -> memref<10000xi32, #tpu.memory_space<hbm>>
      tpu.enqueue_dma source(%dma_start3A_45 : memref<10000xi32, #tpu.memory_space<hbm>>) target(%arg4 : memref<10000xi32, #tpu.memory_space<vmem>>) target_semaphore(%run_scoped3A_42 : memref<!tpu.dma_semaphore, #tpu.memory_space<semaphore_mem>>)
      %dma_wait3A = tpu.memref_slice %arg2[%run_scoped3A, %mul3A_2] : memref<2x320000xi32, #tpu.memory_space<hbm>> -> memref<1x10000xi32, #tpu.memory_space<hbm>>
      %dma_wait3A_46 = tpu.memref_squeeze %dma_wait3A : memref<1x10000xi32, #tpu.memory_space<hbm>> -> memref<10000xi32, #tpu.memory_space<hbm>>
      %dma_wait3A_47 = tpu.memref_slice %arg2[%run_scoped3A, %mul3A_2] : memref<2x320000xi32, #tpu.memory_space<hbm>> -> memref<1x10000xi32, #tpu.memory_space<hbm>>
      %dma_wait3A_48 = tpu.memref_squeeze %dma_wait3A_47 : memref<1x10000xi32, #tpu.memory_space<hbm>> -> memref<10000xi32, #tpu.memory_space<hbm>>
      tpu.wait_dma2 semaphore(%run_scoped3A_42 : memref<!tpu.dma_semaphore, #tpu.memory_space<semaphore_mem>>) src(%dma_wait3A_48 : memref<10000xi32, #tpu.memory_space<hbm>>) dst(%arg4 : memref<10000xi32, #tpu.memory_space<vmem>>)
      tpu.yield
    }) : () -> ()
    %scan3A_18 = arith.constant 0 : i32
    %scan3A_19 = arith.constant 0 : i32
    %scan3A_20 = arith.constant 13 : i32
    %scan3A_21 = arith.addi %scan3A_19, %scan3A_20 : i32
    %scan3A_22 = arith.constant 1 : i32
    scf.for %scan3A_42 = %scan3A_19 to %scan3A_21 step %scan3A_22  : i32 {
      %mul3A_43 = arith.constant 6 : i32
      %mul3A_44 = arith.muli %scan3A_42, %mul3A_43 : i32
      %add3A_45 = arith.constant 0 : i32
      %add3A_46 = arith.addi %mul3A_44, %add3A_45 : i32
      %mul3A_47 = arith.constant 128 : i32
      %mul3A_48 = arith.muli %add3A_46, %mul3A_47 : i32
      %dma_start3A = tpu.memref_slice %arg4[%mul3A_48] : memref<10000xi32, #tpu.memory_space<vmem>> -> memref<128xi32, #tpu.memory_space<vmem>>
      %dma_start3A_49 = arith.constant 0 : i32
      %dma_start3A_50 = arith.constant 0 : i32
      %dma_start3A_51 = tpu.memref_slice %arg7[%dma_start3A_49, %dma_start3A_50] : memref<10240x16xf32, #tpu.memory_space<vmem_shared>> -> memref<10240x16xf32, #tpu.memory_space<vmem_shared>>
      tpu.enqueue_indirect_dma source(%arg5 : memref<128x16xf32, #tpu.memory_space<vmem>>) target(%dma_start3A_51 : memref<10240x16xf32, #tpu.memory_space<vmem_shared>>) offsets(%dma_start3A : memref<128xi32, #tpu.memory_space<vmem>>) semaphore(%arg9 : memref<!tpu.dma_semaphore, #tpu.memory_space<semaphore_mem>>) {add = true}
      %mul3A_52 = arith.constant 6 : i32
      %mul3A_53 = arith.muli %scan3A_42, %mul3A_52 : i32
      %add3A_54 = arith.constant 1 : i32
      %add3A_55 = arith.addi %mul3A_53, %add3A_54 : i32
      %mul3A_56 = arith.constant 128 : i32
      %mul3A_57 = arith.muli %add3A_55, %mul3A_56 : i32
      %dma_start3A_58 = tpu.memref_slice %arg4[%mul3A_57] : memref<10000xi32, #tpu.memory_space<vmem>> -> memref<128xi32, #tpu.memory_space<vmem>>
      %dma_start3A_59 = arith.constant 0 : i32
      %dma_start3A_60 = arith.constant 0 : i32
      %dma_start3A_61 = tpu.memref_slice %arg7[%dma_start3A_59, %dma_start3A_60] : memref<10240x16xf32, #tpu.memory_space<vmem_shared>> -> memref<10240x16xf32, #tpu.memory_space<vmem_shared>>
      tpu.enqueue_indirect_dma source(%arg5 : memref<128x16xf32, #tpu.memory_space<vmem>>) target(%dma_start3A_61 : memref<10240x16xf32, #tpu.memory_space<vmem_shared>>) offsets(%dma_start3A_58 : memref<128xi32, #tpu.memory_space<vmem>>) semaphore(%arg9 : memref<!tpu.dma_semaphore, #tpu.memory_space<semaphore_mem>>) {add = true}
      %mul3A_62 = arith.constant 6 : i32
      %mul3A_63 = arith.muli %scan3A_42, %mul3A_62 : i32
      %add3A_64 = arith.constant 2 : i32
      %add3A_65 = arith.addi %mul3A_63, %add3A_64 : i32
      %mul3A_66 = arith.constant 128 : i32
      %mul3A_67 = arith.muli %add3A_65, %mul3A_66 : i32
      %dma_start3A_68 = tpu.memref_slice %arg4[%mul3A_67] : memref<10000xi32, #tpu.memory_space<vmem>> -> memref<128xi32, #tpu.memory_space<vmem>>
      %dma_start3A_69 = arith.constant 0 : i32
      %dma_start3A_70 = arith.constant 0 : i32
      %dma_start3A_71 = tpu.memref_slice %arg7[%dma_start3A_69, %dma_start3A_70] : memref<10240x16xf32, #tpu.memory_space<vmem_shared>> -> memref<10240x16xf32, #tpu.memory_space<vmem_shared>>
      tpu.enqueue_indirect_dma source(%arg5 : memref<128x16xf32, #tpu.memory_space<vmem>>) target(%dma_start3A_71 : memref<10240x16xf32, #tpu.memory_space<vmem_shared>>) offsets(%dma_start3A_68 : memref<128xi32, #tpu.memory_space<vmem>>) semaphore(%arg9 : memref<!tpu.dma_semaphore, #tpu.memory_space<semaphore_mem>>) {add = true}
      %mul3A_72 = arith.constant 6 : i32
      %mul3A_73 = arith.muli %scan3A_42, %mul3A_72 : i32
      %add3A_74 = arith.constant 3 : i32
      %add3A_75 = arith.addi %mul3A_73, %add3A_74 : i32
      %mul3A_76 = arith.constant 128 : i32
      %mul3A_77 = arith.muli %add3A_75, %mul3A_76 : i32
      %dma_start3A_78 = tpu.memref_slice %arg4[%mul3A_77] : memref<10000xi32, #tpu.memory_space<vmem>> -> memref<128xi32, #tpu.memory_space<vmem>>
      %dma_start3A_79 = arith.constant 0 : i32
      %dma_start3A_80 = arith.constant 0 : i32
      %dma_start3A_81 = tpu.memref_slice %arg7[%dma_start3A_79, %dma_start3A_80] : memref<10240x16xf32, #tpu.memory_space<vmem_shared>> -> memref<10240x16xf32, #tpu.memory_space<vmem_shared>>
      tpu.enqueue_indirect_dma source(%arg5 : memref<128x16xf32, #tpu.memory_space<vmem>>) target(%dma_start3A_81 : memref<10240x16xf32, #tpu.memory_space<vmem_shared>>) offsets(%dma_start3A_78 : memref<128xi32, #tpu.memory_space<vmem>>) semaphore(%arg9 : memref<!tpu.dma_semaphore, #tpu.memory_space<semaphore_mem>>) {add = true}
      %mul3A_82 = arith.constant 6 : i32
      %mul3A_83 = arith.muli %scan3A_42, %mul3A_82 : i32
      %add3A_84 = arith.constant 4 : i32
      %add3A_85 = arith.addi %mul3A_83, %add3A_84 : i32
      %mul3A_86 = arith.constant 128 : i32
      %mul3A_87 = arith.muli %add3A_85, %mul3A_86 : i32
      %dma_start3A_88 = tpu.memref_slice %arg4[%mul3A_87] : memref<10000xi32, #tpu.memory_space<vmem>> -> memref<128xi32, #tpu.memory_space<vmem>>
      %dma_start3A_89 = arith.constant 0 : i32
      %dma_start3A_90 = arith.constant 0 : i32
      %dma_start3A_91 = tpu.memref_slice %arg7[%dma_start3A_89, %dma_start3A_90] : memref<10240x16xf32, #tpu.memory_space<vmem_shared>> -> memref<10240x16xf32, #tpu.memory_space<vmem_shared>>
      tpu.enqueue_indirect_dma source(%arg5 : memref<128x16xf32, #tpu.memory_space<vmem>>) target(%dma_start3A_91 : memref<10240x16xf32, #tpu.memory_space<vmem_shared>>) offsets(%dma_start3A_88 : memref<128xi32, #tpu.memory_space<vmem>>) semaphore(%arg9 : memref<!tpu.dma_semaphore, #tpu.memory_space<semaphore_mem>>) {add = true}
      %mul3A_92 = arith.constant 6 : i32
      %mul3A_93 = arith.muli %scan3A_42, %mul3A_92 : i32
      %add3A_94 = arith.constant 5 : i32
      %add3A_95 = arith.addi %mul3A_93, %add3A_94 : i32
      %mul3A_96 = arith.constant 128 : i32
      %mul3A_97 = arith.muli %add3A_95, %mul3A_96 : i32
      %dma_start3A_98 = tpu.memref_slice %arg4[%mul3A_97] : memref<10000xi32, #tpu.memory_space<vmem>> -> memref<128xi32, #tpu.memory_space<vmem>>
      %dma_start3A_99 = arith.constant 0 : i32
      %dma_start3A_100 = arith.constant 0 : i32
      %dma_start3A_101 = tpu.memref_slice %arg7[%dma_start3A_99, %dma_start3A_100] : memref<10240x16xf32, #tpu.memory_space<vmem_shared>> -> memref<10240x16xf32, #tpu.memory_space<vmem_shared>>
      tpu.enqueue_indirect_dma source(%arg5 : memref<128x16xf32, #tpu.memory_space<vmem>>) target(%dma_start3A_101 : memref<10240x16xf32, #tpu.memory_space<vmem_shared>>) offsets(%dma_start3A_98 : memref<128xi32, #tpu.memory_space<vmem>>) semaphore(%arg9 : memref<!tpu.dma_semaphore, #tpu.memory_space<semaphore_mem>>) {add = true}
      %dma_wait3A = arith.constant 0 : i32
      %dma_wait3A_102 = tpu.memref_slice %arg4[%dma_wait3A] : memref<10000xi32, #tpu.memory_space<vmem>> -> memref<128xi32, #tpu.memory_space<vmem>>
      %dma_wait3A_103 = arith.constant 0 : i32
      %dma_wait3A_104 = arith.constant 0 : i32
      %dma_wait3A_105 = tpu.memref_slice %arg7[%dma_wait3A_103, %dma_wait3A_104] : memref<10240x16xf32, #tpu.memory_space<vmem_shared>> -> memref<10240x16xf32, #tpu.memory_space<vmem_shared>>
      tpu.wait_indirect_dma semaphore(%arg9 : memref<!tpu.dma_semaphore, #tpu.memory_space<semaphore_mem>>) src(%arg5 : memref<128x16xf32, #tpu.memory_space<vmem>>) dst(%dma_wait3A_105 : memref<10240x16xf32, #tpu.memory_space<vmem_shared>>)
      %dma_wait3A_106 = arith.constant 0 : i32
      %dma_wait3A_107 = tpu.memref_slice %arg4[%dma_wait3A_106] : memref<10000xi32, #tpu.memory_space<vmem>> -> memref<128xi32, #tpu.memory_space<vmem>>
      %dma_wait3A_108 = arith.constant 0 : i32
      %dma_wait3A_109 = arith.constant 0 : i32
      %dma_wait3A_110 = tpu.memref_slice %arg7[%dma_wait3A_108, %dma_wait3A_109] : memref<10240x16xf32, #tpu.memory_space<vmem_shared>> -> memref<10240x16xf32, #tpu.memory_space<vmem_shared>>
      tpu.wait_indirect_dma semaphore(%arg9 : memref<!tpu.dma_semaphore, #tpu.memory_space<semaphore_mem>>) src(%arg5 : memref<128x16xf32, #tpu.memory_space<vmem>>) dst(%dma_wait3A_110 : memref<10240x16xf32, #tpu.memory_space<vmem_shared>>)
      %dma_wait3A_111 = arith.constant 0 : i32
      %dma_wait3A_112 = tpu.memref_slice %arg4[%dma_wait3A_111] : memref<10000xi32, #tpu.memory_space<vmem>> -> memref<128xi32, #tpu.memory_space<vmem>>
      %dma_wait3A_113 = arith.constant 0 : i32
      %dma_wait3A_114 = arith.constant 0 : i32
      %dma_wait3A_115 = tpu.memref_slice %arg7[%dma_wait3A_113, %dma_wait3A_114] : memref<10240x16xf32, #tpu.memory_space<vmem_shared>> -> memref<10240x16xf32, #tpu.memory_space<vmem_shared>>
      tpu.wait_indirect_dma semaphore(%arg9 : memref<!tpu.dma_semaphore, #tpu.memory_space<semaphore_mem>>) src(%arg5 : memref<128x16xf32, #tpu.memory_space<vmem>>) dst(%dma_wait3A_115 : memref<10240x16xf32, #tpu.memory_space<vmem_shared>>)
      %dma_wait3A_116 = arith.constant 0 : i32
      %dma_wait3A_117 = tpu.memref_slice %arg4[%dma_wait3A_116] : memref<10000xi32, #tpu.memory_space<vmem>> -> memref<128xi32, #tpu.memory_space<vmem>>
      %dma_wait3A_118 = arith.constant 0 : i32
      %dma_wait3A_119 = arith.constant 0 : i32
      %dma_wait3A_120 = tpu.memref_slice %arg7[%dma_wait3A_118, %dma_wait3A_119] : memref<10240x16xf32, #tpu.memory_space<vmem_shared>> -> memref<10240x16xf32, #tpu.memory_space<vmem_shared>>
      tpu.wait_indirect_dma semaphore(%arg9 : memref<!tpu.dma_semaphore, #tpu.memory_space<semaphore_mem>>) src(%arg5 : memref<128x16xf32, #tpu.memory_space<vmem>>) dst(%dma_wait3A_120 : memref<10240x16xf32, #tpu.memory_space<vmem_shared>>)
      %dma_wait3A_121 = arith.constant 0 : i32
      %dma_wait3A_122 = tpu.memref_slice %arg4[%dma_wait3A_121] : memref<10000xi32, #tpu.memory_space<vmem>> -> memref<128xi32, #tpu.memory_space<vmem>>
      %dma_wait3A_123 = arith.constant 0 : i32
      %dma_wait3A_124 = arith.constant 0 : i32
      %dma_wait3A_125 = tpu.memref_slice %arg7[%dma_wait3A_123, %dma_wait3A_124] : memref<10240x16xf32, #tpu.memory_space<vmem_shared>> -> memref<10240x16xf32, #tpu.memory_space<vmem_shared>>
      tpu.wait_indirect_dma semaphore(%arg9 : memref<!tpu.dma_semaphore, #tpu.memory_space<semaphore_mem>>) src(%arg5 : memref<128x16xf32, #tpu.memory_space<vmem>>) dst(%dma_wait3A_125 : memref<10240x16xf32, #tpu.memory_space<vmem_shared>>)
      %dma_wait3A_126 = arith.constant 0 : i32
      %dma_wait3A_127 = tpu.memref_slice %arg4[%dma_wait3A_126] : memref<10000xi32, #tpu.memory_space<vmem>> -> memref<128xi32, #tpu.memory_space<vmem>>
      %dma_wait3A_128 = arith.constant 0 : i32
      %dma_wait3A_129 = arith.constant 0 : i32
      %dma_wait3A_130 = tpu.memref_slice %arg7[%dma_wait3A_128, %dma_wait3A_129] : memref<10240x16xf32, #tpu.memory_space<vmem_shared>> -> memref<10240x16xf32, #tpu.memory_space<vmem_shared>>
      tpu.wait_indirect_dma semaphore(%arg9 : memref<!tpu.dma_semaphore, #tpu.memory_space<semaphore_mem>>) src(%arg5 : memref<128x16xf32, #tpu.memory_space<vmem>>) dst(%dma_wait3A_130 : memref<10240x16xf32, #tpu.memory_space<vmem_shared>>)
    }
    %scan3A_23 = arith.constant 13 : i32
    "tpu.region"() ({
      %run_scoped3A_42 = tpu.sem_alloc : memref<!tpu.dma_semaphore, #tpu.memory_space<semaphore_mem>>
      %dma_start3A = arith.constant 0 : i32
      %dma_start3A_43 = arith.constant 0 : i32
      %dma_start3A_44 = tpu.memref_slice %arg5[%dma_start3A, %dma_start3A_43] : memref<128x16xf32, #tpu.memory_space<vmem>> -> memref<16x16xf32, #tpu.memory_space<vmem>>
      %dma_start3A_45 = arith.constant 9984 : i32
      %dma_start3A_46 = tpu.memref_slice %arg4[%dma_start3A_45] : memref<10000xi32, #tpu.memory_space<vmem>> -> memref<16xi32, #tpu.memory_space<vmem>>
      %dma_start3A_47 = arith.constant 0 : i32
      %dma_start3A_48 = arith.constant 0 : i32
      %dma_start3A_49 = tpu.memref_slice %arg7[%dma_start3A_47, %dma_start3A_48] : memref<10240x16xf32, #tpu.memory_space<vmem_shared>> -> memref<10240x16xf32, #tpu.memory_space<vmem_shared>>
      tpu.enqueue_indirect_dma source(%dma_start3A_44 : memref<16x16xf32, #tpu.memory_space<vmem>>) target(%dma_start3A_49 : memref<10240x16xf32, #tpu.memory_space<vmem_shared>>) offsets(%dma_start3A_46 : memref<16xi32, #tpu.memory_space<vmem>>) semaphore(%run_scoped3A_42 : memref<!tpu.dma_semaphore, #tpu.memory_space<semaphore_mem>>) {add = true}
      %dma_wait3A = arith.constant 0 : i32
      %dma_wait3A_50 = arith.constant 0 : i32
      %dma_wait3A_51 = tpu.memref_slice %arg5[%dma_wait3A, %dma_wait3A_50] : memref<128x16xf32, #tpu.memory_space<vmem>> -> memref<16x16xf32, #tpu.memory_space<vmem>>
      %dma_wait3A_52 = arith.constant 9984 : i32
      %dma_wait3A_53 = tpu.memref_slice %arg4[%dma_wait3A_52] : memref<10000xi32, #tpu.memory_space<vmem>> -> memref<16xi32, #tpu.memory_space<vmem>>
      %dma_wait3A_54 = arith.constant 0 : i32
      %dma_wait3A_55 = arith.constant 0 : i32
      %dma_wait3A_56 = tpu.memref_slice %arg7[%dma_wait3A_54, %dma_wait3A_55] : memref<10240x16xf32, #tpu.memory_space<vmem_shared>> -> memref<10240x16xf32, #tpu.memory_space<vmem_shared>>
      tpu.wait_indirect_dma semaphore(%run_scoped3A_42 : memref<!tpu.dma_semaphore, #tpu.memory_space<semaphore_mem>>) src(%dma_wait3A_51 : memref<16x16xf32, #tpu.memory_space<vmem>>) dst(%dma_wait3A_56 : memref<10240x16xf32, #tpu.memory_space<vmem_shared>>)
      tpu.yield
    }) : () -> ()
    %run_scoped3A_24 = arith.constant 0 : i32
    "tpu.region"() ({
      %run_scoped3A_42 = tpu.sem_alloc : memref<!tpu.dma_semaphore, #tpu.memory_space<semaphore_mem>>
      %dma_start3A = tpu.memref_slice %arg2[%run_scoped3A_24, %mul3A_2] : memref<2x320000xi32, #tpu.memory_space<hbm>> -> memref<1x10000xi32, #tpu.memory_space<hbm>>
      %dma_start3A_43 = tpu.memref_squeeze %dma_start3A : memref<1x10000xi32, #tpu.memory_space<hbm>> -> memref<10000xi32, #tpu.memory_space<hbm>>
      %dma_start3A_44 = tpu.memref_slice %arg2[%run_scoped3A_24, %mul3A_2] : memref<2x320000xi32, #tpu.memory_space<hbm>> -> memref<1x10000xi32, #tpu.memory_space<hbm>>
      %dma_start3A_45 = tpu.memref_squeeze %dma_start3A_44 : memref<1x10000xi32, #tpu.memory_space<hbm>> -> memref<10000xi32, #tpu.memory_space<hbm>>
      tpu.enqueue_dma source(%dma_start3A_45 : memref<10000xi32, #tpu.memory_space<hbm>>) target(%arg4 : memref<10000xi32, #tpu.memory_space<vmem>>) target_semaphore(%run_scoped3A_42 : memref<!tpu.dma_semaphore, #tpu.memory_space<semaphore_mem>>)
      %dma_wait3A = tpu.memref_slice %arg2[%run_scoped3A_24, %mul3A_2] : memref<2x320000xi32, #tpu.memory_space<hbm>> -> memref<1x10000xi32, #tpu.memory_space<hbm>>
      %dma_wait3A_46 = tpu.memref_squeeze %dma_wait3A : memref<1x10000xi32, #tpu.memory_space<hbm>> -> memref<10000xi32, #tpu.memory_space<hbm>>
      %dma_wait3A_47 = tpu.memref_slice %arg2[%run_scoped3A_24, %mul3A_2] : memref<2x320000xi32, #tpu.memory_space<hbm>> -> memref<1x10000xi32, #tpu.memory_space<hbm>>
      %dma_wait3A_48 = tpu.memref_squeeze %dma_wait3A_47 : memref<1x10000xi32, #tpu.memory_space<hbm>> -> memref<10000xi32, #tpu.memory_space<hbm>>
      tpu.wait_dma2 semaphore(%run_scoped3A_42 : memref<!tpu.dma_semaphore, #tpu.memory_space<semaphore_mem>>) src(%dma_wait3A_48 : memref<10000xi32, #tpu.memory_space<hbm>>) dst(%arg4 : memref<10000xi32, #tpu.memory_space<vmem>>)
      tpu.yield
    }) : () -> ()
    %scan3A_25 = arith.constant 0 : i32
    %scan3A_26 = arith.constant 0 : i32
    %scan3A_27 = arith.constant 13 : i32
    %scan3A_28 = arith.addi %scan3A_26, %scan3A_27 : i32
    %scan3A_29 = arith.constant 1 : i32
    scf.for %scan3A_42 = %scan3A_26 to %scan3A_28 step %scan3A_29  : i32 {
      %mul3A_43 = arith.constant 6 : i32
      %mul3A_44 = arith.muli %scan3A_42, %mul3A_43 : i32
      %add3A_45 = arith.constant 0 : i32
      %add3A_46 = arith.addi %mul3A_44, %add3A_45 : i32
      %mul3A_47 = arith.constant 128 : i32
      %mul3A_48 = arith.muli %add3A_46, %mul3A_47 : i32
      %dma_start3A = tpu.memref_slice %arg4[%mul3A_48] : memref<10000xi32, #tpu.memory_space<vmem>> -> memref<128xi32, #tpu.memory_space<vmem>>
      %dma_start3A_49 = arith.constant 0 : i32
      %dma_start3A_50 = arith.constant 0 : i32
      %dma_start3A_51 = tpu.memref_slice %arg8[%dma_start3A_49, %dma_start3A_50] : memref<10240x16xf32, #tpu.memory_space<vmem_shared>> -> memref<10240x16xf32, #tpu.memory_space<vmem_shared>>
      tpu.enqueue_indirect_dma source(%arg5 : memref<128x16xf32, #tpu.memory_space<vmem>>) target(%dma_start3A_51 : memref<10240x16xf32, #tpu.memory_space<vmem_shared>>) offsets(%dma_start3A : memref<128xi32, #tpu.memory_space<vmem>>) semaphore(%arg9 : memref<!tpu.dma_semaphore, #tpu.memory_space<semaphore_mem>>) {add = true}
      %mul3A_52 = arith.constant 6 : i32
      %mul3A_53 = arith.muli %scan3A_42, %mul3A_52 : i32
      %add3A_54 = arith.constant 1 : i32
      %add3A_55 = arith.addi %mul3A_53, %add3A_54 : i32
      %mul3A_56 = arith.constant 128 : i32
      %mul3A_57 = arith.muli %add3A_55, %mul3A_56 : i32
      %dma_start3A_58 = tpu.memref_slice %arg4[%mul3A_57] : memref<10000xi32, #tpu.memory_space<vmem>> -> memref<128xi32, #tpu.memory_space<vmem>>
      %dma_start3A_59 = arith.constant 0 : i32
      %dma_start3A_60 = arith.constant 0 : i32
      %dma_start3A_61 = tpu.memref_slice %arg8[%dma_start3A_59, %dma_start3A_60] : memref<10240x16xf32, #tpu.memory_space<vmem_shared>> -> memref<10240x16xf32, #tpu.memory_space<vmem_shared>>
      tpu.enqueue_indirect_dma source(%arg5 : memref<128x16xf32, #tpu.memory_space<vmem>>) target(%dma_start3A_61 : memref<10240x16xf32, #tpu.memory_space<vmem_shared>>) offsets(%dma_start3A_58 : memref<128xi32, #tpu.memory_space<vmem>>) semaphore(%arg9 : memref<!tpu.dma_semaphore, #tpu.memory_space<semaphore_mem>>) {add = true}
      %mul3A_62 = arith.constant 6 : i32
      %mul3A_63 = arith.muli %scan3A_42, %mul3A_62 : i32
      %add3A_64 = arith.constant 2 : i32
      %add3A_65 = arith.addi %mul3A_63, %add3A_64 : i32
      %mul3A_66 = arith.constant 128 : i32
      %mul3A_67 = arith.muli %add3A_65, %mul3A_66 : i32
      %dma_start3A_68 = tpu.memref_slice %arg4[%mul3A_67] : memref<10000xi32, #tpu.memory_space<vmem>> -> memref<128xi32, #tpu.memory_space<vmem>>
      %dma_start3A_69 = arith.constant 0 : i32
      %dma_start3A_70 = arith.constant 0 : i32
      %dma_start3A_71 = tpu.memref_slice %arg8[%dma_start3A_69, %dma_start3A_70] : memref<10240x16xf32, #tpu.memory_space<vmem_shared>> -> memref<10240x16xf32, #tpu.memory_space<vmem_shared>>
      tpu.enqueue_indirect_dma source(%arg5 : memref<128x16xf32, #tpu.memory_space<vmem>>) target(%dma_start3A_71 : memref<10240x16xf32, #tpu.memory_space<vmem_shared>>) offsets(%dma_start3A_68 : memref<128xi32, #tpu.memory_space<vmem>>) semaphore(%arg9 : memref<!tpu.dma_semaphore, #tpu.memory_space<semaphore_mem>>) {add = true}
      %mul3A_72 = arith.constant 6 : i32
      %mul3A_73 = arith.muli %scan3A_42, %mul3A_72 : i32
      %add3A_74 = arith.constant 3 : i32
      %add3A_75 = arith.addi %mul3A_73, %add3A_74 : i32
      %mul3A_76 = arith.constant 128 : i32
      %mul3A_77 = arith.muli %add3A_75, %mul3A_76 : i32
      %dma_start3A_78 = tpu.memref_slice %arg4[%mul3A_77] : memref<10000xi32, #tpu.memory_space<vmem>> -> memref<128xi32, #tpu.memory_space<vmem>>
      %dma_start3A_79 = arith.constant 0 : i32
      %dma_start3A_80 = arith.constant 0 : i32
      %dma_start3A_81 = tpu.memref_slice %arg8[%dma_start3A_79, %dma_start3A_80] : memref<10240x16xf32, #tpu.memory_space<vmem_shared>> -> memref<10240x16xf32, #tpu.memory_space<vmem_shared>>
      tpu.enqueue_indirect_dma source(%arg5 : memref<128x16xf32, #tpu.memory_space<vmem>>) target(%dma_start3A_81 : memref<10240x16xf32, #tpu.memory_space<vmem_shared>>) offsets(%dma_start3A_78 : memref<128xi32, #tpu.memory_space<vmem>>) semaphore(%arg9 : memref<!tpu.dma_semaphore, #tpu.memory_space<semaphore_mem>>) {add = true}
      %mul3A_82 = arith.constant 6 : i32
      %mul3A_83 = arith.muli %scan3A_42, %mul3A_82 : i32
      %add3A_84 = arith.constant 4 : i32
      %add3A_85 = arith.addi %mul3A_83, %add3A_84 : i32
      %mul3A_86 = arith.constant 128 : i32
      %mul3A_87 = arith.muli %add3A_85, %mul3A_86 : i32
      %dma_start3A_88 = tpu.memref_slice %arg4[%mul3A_87] : memref<10000xi32, #tpu.memory_space<vmem>> -> memref<128xi32, #tpu.memory_space<vmem>>
      %dma_start3A_89 = arith.constant 0 : i32
      %dma_start3A_90 = arith.constant 0 : i32
      %dma_start3A_91 = tpu.memref_slice %arg8[%dma_start3A_89, %dma_start3A_90] : memref<10240x16xf32, #tpu.memory_space<vmem_shared>> -> memref<10240x16xf32, #tpu.memory_space<vmem_shared>>
      tpu.enqueue_indirect_dma source(%arg5 : memref<128x16xf32, #tpu.memory_space<vmem>>) target(%dma_start3A_91 : memref<10240x16xf32, #tpu.memory_space<vmem_shared>>) offsets(%dma_start3A_88 : memref<128xi32, #tpu.memory_space<vmem>>) semaphore(%arg9 : memref<!tpu.dma_semaphore, #tpu.memory_space<semaphore_mem>>) {add = true}
      %mul3A_92 = arith.constant 6 : i32
      %mul3A_93 = arith.muli %scan3A_42, %mul3A_92 : i32
      %add3A_94 = arith.constant 5 : i32
      %add3A_95 = arith.addi %mul3A_93, %add3A_94 : i32
      %mul3A_96 = arith.constant 128 : i32
      %mul3A_97 = arith.muli %add3A_95, %mul3A_96 : i32
      %dma_start3A_98 = tpu.memref_slice %arg4[%mul3A_97] : memref<10000xi32, #tpu.memory_space<vmem>> -> memref<128xi32, #tpu.memory_space<vmem>>
      %dma_start3A_99 = arith.constant 0 : i32
      %dma_start3A_100 = arith.constant 0 : i32
      %dma_start3A_101 = tpu.memref_slice %arg8[%dma_start3A_99, %dma_start3A_100] : memref<10240x16xf32, #tpu.memory_space<vmem_shared>> -> memref<10240x16xf32, #tpu.memory_space<vmem_shared>>
      tpu.enqueue_indirect_dma source(%arg5 : memref<128x16xf32, #tpu.memory_space<vmem>>) target(%dma_start3A_101 : memref<10240x16xf32, #tpu.memory_space<vmem_shared>>) offsets(%dma_start3A_98 : memref<128xi32, #tpu.memory_space<vmem>>) semaphore(%arg9 : memref<!tpu.dma_semaphore, #tpu.memory_space<semaphore_mem>>) {add = true}
      %dma_wait3A = arith.constant 0 : i32
      %dma_wait3A_102 = tpu.memref_slice %arg4[%dma_wait3A] : memref<10000xi32, #tpu.memory_space<vmem>> -> memref<128xi32, #tpu.memory_space<vmem>>
      %dma_wait3A_103 = arith.constant 0 : i32
      %dma_wait3A_104 = arith.constant 0 : i32
      %dma_wait3A_105 = tpu.memref_slice %arg8[%dma_wait3A_103, %dma_wait3A_104] : memref<10240x16xf32, #tpu.memory_space<vmem_shared>> -> memref<10240x16xf32, #tpu.memory_space<vmem_shared>>
      tpu.wait_indirect_dma semaphore(%arg9 : memref<!tpu.dma_semaphore, #tpu.memory_space<semaphore_mem>>) src(%arg5 : memref<128x16xf32, #tpu.memory_space<vmem>>) dst(%dma_wait3A_105 : memref<10240x16xf32, #tpu.memory_space<vmem_shared>>)
      %dma_wait3A_106 = arith.constant 0 : i32
      %dma_wait3A_107 = tpu.memref_slice %arg4[%dma_wait3A_106] : memref<10000xi32, #tpu.memory_space<vmem>> -> memref<128xi32, #tpu.memory_space<vmem>>
      %dma_wait3A_108 = arith.constant 0 : i32
      %dma_wait3A_109 = arith.constant 0 : i32
      %dma_wait3A_110 = tpu.memref_slice %arg8[%dma_wait3A_108, %dma_wait3A_109] : memref<10240x16xf32, #tpu.memory_space<vmem_shared>> -> memref<10240x16xf32, #tpu.memory_space<vmem_shared>>
      tpu.wait_indirect_dma semaphore(%arg9 : memref<!tpu.dma_semaphore, #tpu.memory_space<semaphore_mem>>) src(%arg5 : memref<128x16xf32, #tpu.memory_space<vmem>>) dst(%dma_wait3A_110 : memref<10240x16xf32, #tpu.memory_space<vmem_shared>>)
      %dma_wait3A_111 = arith.constant 0 : i32
      %dma_wait3A_112 = tpu.memref_slice %arg4[%dma_wait3A_111] : memref<10000xi32, #tpu.memory_space<vmem>> -> memref<128xi32, #tpu.memory_space<vmem>>
      %dma_wait3A_113 = arith.constant 0 : i32
      %dma_wait3A_114 = arith.constant 0 : i32
      %dma_wait3A_115 = tpu.memref_slice %arg8[%dma_wait3A_113, %dma_wait3A_114] : memref<10240x16xf32, #tpu.memory_space<vmem_shared>> -> memref<10240x16xf32, #tpu.memory_space<vmem_shared>>
      tpu.wait_indirect_dma semaphore(%arg9 : memref<!tpu.dma_semaphore, #tpu.memory_space<semaphore_mem>>) src(%arg5 : memref<128x16xf32, #tpu.memory_space<vmem>>) dst(%dma_wait3A_115 : memref<10240x16xf32, #tpu.memory_space<vmem_shared>>)
      %dma_wait3A_116 = arith.constant 0 : i32
      %dma_wait3A_117 = tpu.memref_slice %arg4[%dma_wait3A_116] : memref<10000xi32, #tpu.memory_space<vmem>> -> memref<128xi32, #tpu.memory_space<vmem>>
      %dma_wait3A_118 = arith.constant 0 : i32
      %dma_wait3A_119 = arith.constant 0 : i32
      %dma_wait3A_120 = tpu.memref_slice %arg8[%dma_wait3A_118, %dma_wait3A_119] : memref<10240x16xf32, #tpu.memory_space<vmem_shared>> -> memref<10240x16xf32, #tpu.memory_space<vmem_shared>>
      tpu.wait_indirect_dma semaphore(%arg9 : memref<!tpu.dma_semaphore, #tpu.memory_space<semaphore_mem>>) src(%arg5 : memref<128x16xf32, #tpu.memory_space<vmem>>) dst(%dma_wait3A_120 : memref<10240x16xf32, #tpu.memory_space<vmem_shared>>)
      %dma_wait3A_121 = arith.constant 0 : i32
      %dma_wait3A_122 = tpu.memref_slice %arg4[%dma_wait3A_121] : memref<10000xi32, #tpu.memory_space<vmem>> -> memref<128xi32, #tpu.memory_space<vmem>>
      %dma_wait3A_123 = arith.constant 0 : i32
      %dma_wait3A_124 = arith.constant 0 : i32
      %dma_wait3A_125 = tpu.memref_slice %arg8[%dma_wait3A_123, %dma_wait3A_124] : memref<10240x16xf32, #tpu.memory_space<vmem_shared>> -> memref<10240x16xf32, #tpu.memory_space<vmem_shared>>
      tpu.wait_indirect_dma semaphore(%arg9 : memref<!tpu.dma_semaphore, #tpu.memory_space<semaphore_mem>>) src(%arg5 : memref<128x16xf32, #tpu.memory_space<vmem>>) dst(%dma_wait3A_125 : memref<10240x16xf32, #tpu.memory_space<vmem_shared>>)
      %dma_wait3A_126 = arith.constant 0 : i32
      %dma_wait3A_127 = tpu.memref_slice %arg4[%dma_wait3A_126] : memref<10000xi32, #tpu.memory_space<vmem>> -> memref<128xi32, #tpu.memory_space<vmem>>
      %dma_wait3A_128 = arith.constant 0 : i32
      %dma_wait3A_129 = arith.constant 0 : i32
      %dma_wait3A_130 = tpu.memref_slice %arg8[%dma_wait3A_128, %dma_wait3A_129] : memref<10240x16xf32, #tpu.memory_space<vmem_shared>> -> memref<10240x16xf32, #tpu.memory_space<vmem_shared>>
      tpu.wait_indirect_dma semaphore(%arg9 : memref<!tpu.dma_semaphore, #tpu.memory_space<semaphore_mem>>) src(%arg5 : memref<128x16xf32, #tpu.memory_space<vmem>>) dst(%dma_wait3A_130 : memref<10240x16xf32, #tpu.memory_space<vmem_shared>>)
    }
    %scan3A_30 = arith.constant 13 : i32
    "tpu.region"() ({
      %run_scoped3A_42 = tpu.sem_alloc : memref<!tpu.dma_semaphore, #tpu.memory_space<semaphore_mem>>
      %dma_start3A = arith.constant 0 : i32
      %dma_start3A_43 = arith.constant 0 : i32
      %dma_start3A_44 = tpu.memref_slice %arg5[%dma_start3A, %dma_start3A_43] : memref<128x16xf32, #tpu.memory_space<vmem>> -> memref<16x16xf32, #tpu.memory_space<vmem>>
      %dma_start3A_45 = arith.constant 9984 : i32
      %dma_start3A_46 = tpu.memref_slice %arg4[%dma_start3A_45] : memref<10000xi32, #tpu.memory_space<vmem>> -> memref<16xi32, #tpu.memory_space<vmem>>
      %dma_start3A_47 = arith.constant 0 : i32
      %dma_start3A_48 = arith.constant 0 : i32
      %dma_start3A_49 = tpu.memref_slice %arg8[%dma_start3A_47, %dma_start3A_48] : memref<10240x16xf32, #tpu.memory_space<vmem_shared>> -> memref<10240x16xf32, #tpu.memory_space<vmem_shared>>
      tpu.enqueue_indirect_dma source(%dma_start3A_44 : memref<16x16xf32, #tpu.memory_space<vmem>>) target(%dma_start3A_49 : memref<10240x16xf32, #tpu.memory_space<vmem_shared>>) offsets(%dma_start3A_46 : memref<16xi32, #tpu.memory_space<vmem>>) semaphore(%run_scoped3A_42 : memref<!tpu.dma_semaphore, #tpu.memory_space<semaphore_mem>>) {add = true}
      %dma_wait3A = arith.constant 0 : i32
      %dma_wait3A_50 = arith.constant 0 : i32
      %dma_wait3A_51 = tpu.memref_slice %arg5[%dma_wait3A, %dma_wait3A_50] : memref<128x16xf32, #tpu.memory_space<vmem>> -> memref<16x16xf32, #tpu.memory_space<vmem>>
      %dma_wait3A_52 = arith.constant 9984 : i32
      %dma_wait3A_53 = tpu.memref_slice %arg4[%dma_wait3A_52] : memref<10000xi32, #tpu.memory_space<vmem>> -> memref<16xi32, #tpu.memory_space<vmem>>
      %dma_wait3A_54 = arith.constant 0 : i32
      %dma_wait3A_55 = arith.constant 0 : i32
      %dma_wait3A_56 = tpu.memref_slice %arg8[%dma_wait3A_54, %dma_wait3A_55] : memref<10240x16xf32, #tpu.memory_space<vmem_shared>> -> memref<10240x16xf32, #tpu.memory_space<vmem_shared>>
      tpu.wait_indirect_dma semaphore(%run_scoped3A_42 : memref<!tpu.dma_semaphore, #tpu.memory_space<semaphore_mem>>) src(%dma_wait3A_51 : memref<16x16xf32, #tpu.memory_space<vmem>>) dst(%dma_wait3A_56 : memref<10240x16xf32, #tpu.memory_space<vmem_shared>>)
      tpu.yield
    }) : () -> ()
    %barrier3A_31 = arith.constant 0 : index
    tpu.barrier barrier_id(%barrier3A_31)
    %mul3A_32 = arith.constant 640 : i32
    %mul3A_33 = arith.muli %arg1, %mul3A_32 : i32
    %mul3A_34 = arith.constant 640 : i32
    %mul3A_35 = arith.muli %arg1, %mul3A_34 : i32
    %run_scoped3A_36 = arith.constant 0 : i32
    "tpu.region"() ({
      %run_scoped3A_42 = tpu.sem_alloc : memref<!tpu.dma_semaphore, #tpu.memory_space<semaphore_mem>>
      %dma_start3A = arith.constant 0 : i32
      %dma_start3A_43 = tpu.memref_slice %arg3[%arg0, %run_scoped3A_36, %mul3A_35, %dma_start3A] : memref<2x2x10240x16xf32, #tpu.memory_space<hbm>> -> memref<1x1x640x16xf32, #tpu.memory_space<hbm>>
      %dma_start3A_44 = tpu.memref_squeeze %dma_start3A_43 : memref<1x1x640x16xf32, #tpu.memory_space<hbm>> -> memref<640x16xf32, #tpu.memory_space<hbm>>
      %dma_start3A_45 = arith.constant 0 : i32
      %dma_start3A_46 = tpu.memref_slice %arg7[%mul3A_33, %dma_start3A_45] : memref<10240x16xf32, #tpu.memory_space<vmem_shared>> -> memref<640x16xf32, #tpu.memory_space<vmem_shared>>
      tpu.enqueue_dma source(%dma_start3A_46 : memref<640x16xf32, #tpu.memory_space<vmem_shared>>) target(%dma_start3A_44 : memref<640x16xf32, #tpu.memory_space<hbm>>) target_semaphore(%run_scoped3A_42 : memref<!tpu.dma_semaphore, #tpu.memory_space<semaphore_mem>>)
      %dma_wait3A = arith.constant 0 : i32
      %dma_wait3A_47 = tpu.memref_slice %arg3[%arg0, %run_scoped3A_36, %mul3A_35, %dma_wait3A] : memref<2x2x10240x16xf32, #tpu.memory_space<hbm>> -> memref<1x1x640x16xf32, #tpu.memory_space<hbm>>
      %dma_wait3A_48 = tpu.memref_squeeze %dma_wait3A_47 : memref<1x1x640x16xf32, #tpu.memory_space<hbm>> -> memref<640x16xf32, #tpu.memory_space<hbm>>
      %dma_wait3A_49 = arith.constant 0 : i32
      %dma_wait3A_50 = tpu.memref_slice %arg7[%mul3A_33, %dma_wait3A_49] : memref<10240x16xf32, #tpu.memory_space<vmem_shared>> -> memref<640x16xf32, #tpu.memory_space<vmem_shared>>
      tpu.wait_dma2 semaphore(%run_scoped3A_42 : memref<!tpu.dma_semaphore, #tpu.memory_space<semaphore_mem>>) src(%dma_wait3A_50 : memref<640x16xf32, #tpu.memory_space<vmem_shared>>) dst(%dma_wait3A_48 : memref<640x16xf32, #tpu.memory_space<hbm>>)
      tpu.yield
    }) : () -> ()
    %mul3A_37 = arith.constant 640 : i32
    %mul3A_38 = arith.muli %arg1, %mul3A_37 : i32
    %mul3A_39 = arith.constant 640 : i32
    %mul3A_40 = arith.muli %arg1, %mul3A_39 : i32
    %run_scoped3A_41 = arith.constant 1 : i32
    "tpu.region"() ({
      %run_scoped3A_42 = tpu.sem_alloc : memref<!tpu.dma_semaphore, #tpu.memory_space<semaphore_mem>>
      %dma_start3A = arith.constant 0 : i32
      %dma_start3A_43 = tpu.memref_slice %arg3[%arg0, %run_scoped3A_41, %mul3A_40, %dma_start3A] : memref<2x2x10240x16xf32, #tpu.memory_space<hbm>> -> memref<1x1x640x16xf32, #tpu.memory_space<hbm>>
      %dma_start3A_44 = tpu.memref_squeeze %dma_start3A_43 : memref<1x1x640x16xf32, #tpu.memory_space<hbm>> -> memref<640x16xf32, #tpu.memory_space<hbm>>
      %dma_start3A_45 = arith.constant 0 : i32
      %dma_start3A_46 = tpu.memref_slice %arg8[%mul3A_38, %dma_start3A_45] : memref<10240x16xf32, #tpu.memory_space<vmem_shared>> -> memref<640x16xf32, #tpu.memory_space<vmem_shared>>
      tpu.enqueue_dma source(%dma_start3A_46 : memref<640x16xf32, #tpu.memory_space<vmem_shared>>) target(%dma_start3A_44 : memref<640x16xf32, #tpu.memory_space<hbm>>) target_semaphore(%run_scoped3A_42 : memref<!tpu.dma_semaphore, #tpu.memory_space<semaphore_mem>>)
      %dma_wait3A = arith.constant 0 : i32
      %dma_wait3A_47 = tpu.memref_slice %arg3[%arg0, %run_scoped3A_41, %mul3A_40, %dma_wait3A] : memref<2x2x10240x16xf32, #tpu.memory_space<hbm>> -> memref<1x1x640x16xf32, #tpu.memory_space<hbm>>
      %dma_wait3A_48 = tpu.memref_squeeze %dma_wait3A_47 : memref<1x1x640x16xf32, #tpu.memory_space<hbm>> -> memref<640x16xf32, #tpu.memory_space<hbm>>
      %dma_wait3A_49 = arith.constant 0 : i32
      %dma_wait3A_50 = tpu.memref_slice %arg8[%mul3A_38, %dma_wait3A_49] : memref<10240x16xf32, #tpu.memory_space<vmem_shared>> -> memref<640x16xf32, #tpu.memory_space<vmem_shared>>
      tpu.wait_dma2 semaphore(%run_scoped3A_42 : memref<!tpu.dma_semaphore, #tpu.memory_space<semaphore_mem>>) src(%dma_wait3A_50 : memref<640x16xf32, #tpu.memory_space<vmem_shared>>) dst(%dma_wait3A_48 : memref<640x16xf32, #tpu.memory_space<hbm>>)
      tpu.yield
    }) : () -> ()
    return
  }
}

#map = affine_map<(d0, d1) -> (0, 0)>
#map1 = affine_map<(d0, d1) -> (0, 0, 0)>
module attributes {stable_mosaic.version = 14 : i64} {
  func.func @_sc_aggregate(%arg0: i32, %arg1: i32, %arg2: memref<20000x64xf32, #tpu.memory_space<hbm>>, %arg3: memref<2x320000xi32, #tpu.memory_space<hbm>>, %arg4: memref<2x10240x128xf32, #tpu.memory_space<hbm>>, %arg5: memref<10000xi32, #tpu.memory_space<vmem>>, %arg6: memref<10000xi32, #tpu.memory_space<vmem>>, %arg7: memref<128x64xf32, #tpu.memory_space<vmem>>, %arg8: memref<128x64xf32, #tpu.memory_space<vmem>>, %arg9: memref<128x64xf32, #tpu.memory_space<vmem>>, %arg10: memref<10240x64xf32, #tpu.memory_space<vmem_shared>>, %arg11: memref<!tpu.dma_semaphore, #tpu.memory_space<semaphore_mem>>) attributes {dimension_semantics = [#tpu.dimension_semantics<core_parallel>, #tpu.dimension_semantics<subcore_parallel>], iteration_bounds = array<i64: 2, 16>, scalar_prefetch = 0 : i64, scratch_operands = 7 : i64, tpu.core_type = #tpu.core_type<sc_vector_subcore>, window_params = [{transform_indices = #map}, {transform_indices = #map}, {transform_indices = #map1}]} {
    %mul3A = arith.constant 16 : i32
    %mul3A_0 = arith.muli %arg0, %mul3A : i32
    %add3A = arith.addi %mul3A_0, %arg1 : i32
    %mul3A_1 = arith.constant 10000 : i32
    %mul3A_2 = arith.muli %add3A, %mul3A_1 : i32
    %run_scoped3A = arith.constant 0 : i32
    "tpu.region"() ({
      %run_scoped3A_101 = tpu.sem_alloc : memref<!tpu.dma_semaphore, #tpu.memory_space<semaphore_mem>>
      %dma_start3A_102 = tpu.memref_slice %arg3[%run_scoped3A, %mul3A_2] : memref<2x320000xi32, #tpu.memory_space<hbm>> -> memref<1x10000xi32, #tpu.memory_space<hbm>>
      %dma_start3A_103 = tpu.memref_squeeze %dma_start3A_102 : memref<1x10000xi32, #tpu.memory_space<hbm>> -> memref<10000xi32, #tpu.memory_space<hbm>>
      %dma_start3A_104 = tpu.memref_slice %arg3[%run_scoped3A, %mul3A_2] : memref<2x320000xi32, #tpu.memory_space<hbm>> -> memref<1x10000xi32, #tpu.memory_space<hbm>>
      %dma_start3A_105 = tpu.memref_squeeze %dma_start3A_104 : memref<1x10000xi32, #tpu.memory_space<hbm>> -> memref<10000xi32, #tpu.memory_space<hbm>>
      tpu.enqueue_dma source(%dma_start3A_105 : memref<10000xi32, #tpu.memory_space<hbm>>) target(%arg5 : memref<10000xi32, #tpu.memory_space<vmem>>) target_semaphore(%run_scoped3A_101 : memref<!tpu.dma_semaphore, #tpu.memory_space<semaphore_mem>>)
      %dma_wait3A = tpu.memref_slice %arg3[%run_scoped3A, %mul3A_2] : memref<2x320000xi32, #tpu.memory_space<hbm>> -> memref<1x10000xi32, #tpu.memory_space<hbm>>
      %dma_wait3A_106 = tpu.memref_squeeze %dma_wait3A : memref<1x10000xi32, #tpu.memory_space<hbm>> -> memref<10000xi32, #tpu.memory_space<hbm>>
      %dma_wait3A_107 = tpu.memref_slice %arg3[%run_scoped3A, %mul3A_2] : memref<2x320000xi32, #tpu.memory_space<hbm>> -> memref<1x10000xi32, #tpu.memory_space<hbm>>
      %dma_wait3A_108 = tpu.memref_squeeze %dma_wait3A_107 : memref<1x10000xi32, #tpu.memory_space<hbm>> -> memref<10000xi32, #tpu.memory_space<hbm>>
      tpu.wait_dma2 semaphore(%run_scoped3A_101 : memref<!tpu.dma_semaphore, #tpu.memory_space<semaphore_mem>>) src(%dma_wait3A_108 : memref<10000xi32, #tpu.memory_space<hbm>>) dst(%arg5 : memref<10000xi32, #tpu.memory_space<vmem>>)
      tpu.yield
    }) : () -> ()
    %run_scoped3A_3 = arith.constant 1 : i32
    "tpu.region"() ({
      %run_scoped3A_101 = tpu.sem_alloc : memref<!tpu.dma_semaphore, #tpu.memory_space<semaphore_mem>>
      %dma_start3A_102 = tpu.memref_slice %arg3[%run_scoped3A_3, %mul3A_2] : memref<2x320000xi32, #tpu.memory_space<hbm>> -> memref<1x10000xi32, #tpu.memory_space<hbm>>
      %dma_start3A_103 = tpu.memref_squeeze %dma_start3A_102 : memref<1x10000xi32, #tpu.memory_space<hbm>> -> memref<10000xi32, #tpu.memory_space<hbm>>
      %dma_start3A_104 = tpu.memref_slice %arg3[%run_scoped3A_3, %mul3A_2] : memref<2x320000xi32, #tpu.memory_space<hbm>> -> memref<1x10000xi32, #tpu.memory_space<hbm>>
      %dma_start3A_105 = tpu.memref_squeeze %dma_start3A_104 : memref<1x10000xi32, #tpu.memory_space<hbm>> -> memref<10000xi32, #tpu.memory_space<hbm>>
      tpu.enqueue_dma source(%dma_start3A_105 : memref<10000xi32, #tpu.memory_space<hbm>>) target(%arg6 : memref<10000xi32, #tpu.memory_space<vmem>>) target_semaphore(%run_scoped3A_101 : memref<!tpu.dma_semaphore, #tpu.memory_space<semaphore_mem>>)
      %dma_wait3A = tpu.memref_slice %arg3[%run_scoped3A_3, %mul3A_2] : memref<2x320000xi32, #tpu.memory_space<hbm>> -> memref<1x10000xi32, #tpu.memory_space<hbm>>
      %dma_wait3A_106 = tpu.memref_squeeze %dma_wait3A : memref<1x10000xi32, #tpu.memory_space<hbm>> -> memref<10000xi32, #tpu.memory_space<hbm>>
      %dma_wait3A_107 = tpu.memref_slice %arg3[%run_scoped3A_3, %mul3A_2] : memref<2x320000xi32, #tpu.memory_space<hbm>> -> memref<1x10000xi32, #tpu.memory_space<hbm>>
      %dma_wait3A_108 = tpu.memref_squeeze %dma_wait3A_107 : memref<1x10000xi32, #tpu.memory_space<hbm>> -> memref<10000xi32, #tpu.memory_space<hbm>>
      tpu.wait_dma2 semaphore(%run_scoped3A_101 : memref<!tpu.dma_semaphore, #tpu.memory_space<semaphore_mem>>) src(%dma_wait3A_108 : memref<10000xi32, #tpu.memory_space<hbm>>) dst(%arg6 : memref<10000xi32, #tpu.memory_space<vmem>>)
      tpu.yield
    }) : () -> ()
    %scan3A = arith.constant 0 : i32
    %scan3A_4 = arith.constant 0 : i32
    %scan3A_5 = arith.constant 625 : i32
    %scan3A_6 = arith.addi %scan3A_4, %scan3A_5 : i32
    %scan3A_7 = arith.constant 1 : i32
    scf.for %scan3A_101 = %scan3A_4 to %scan3A_6 step %scan3A_7  : i32 {
      %mul3A_102 = arith.constant 16 : i32
      %mul3A_103 = arith.muli %scan3A_101, %mul3A_102 : i32
      %get3A = arith.index_cast %mul3A_103 : i32 to index
      %get3A_104 = tpu.vector_load %arg5[%get3A] {strides = array<i32>} : memref<10000xi32, #tpu.memory_space<vmem>>, vector<16xi32>,
      %mul3A_105 = arith.constant 2 : i32
      %mul3A_106 = vector.broadcast %mul3A_105 : i32 to vector<16xi32>
      %mul3A_107 = arith.muli %get3A_104, %mul3A_106 : vector<16xi32>
      %mul3A_108 = arith.constant 16 : i32
      %mul3A_109 = arith.muli %scan3A_101, %mul3A_108 : i32
      %swap3A = arith.index_cast %mul3A_109 : i32 to index
      %swap3A_110 = tpu.vector_load %arg5[%swap3A] {strides = array<i32>} : memref<10000xi32, #tpu.memory_space<vmem>>, vector<16xi32>,
      tpu.vector_store %arg5[%swap3A], %mul3A_107 {strides = array<i32>} : memref<10000xi32, #tpu.memory_space<vmem>>, vector<16xi32>,
    }
    %scan3A_8 = arith.constant 625 : i32
    %scan3A_9 = arith.constant 0 : i32
    %scan3A_10 = arith.constant 0 : i32
    %scan3A_11 = arith.constant 128 : i32
    %scan3A_12 = arith.addi %scan3A_10, %scan3A_11 : i32
    %scan3A_13 = arith.constant 1 : i32
    scf.for %scan3A_101 = %scan3A_10 to %scan3A_12 step %scan3A_13  : i32 {
      %broadcast_in_dim3A = arith.constant 0.000000e+00 : f32
      %broadcast_in_dim3A_102 = vector.broadcast %broadcast_in_dim3A : f32 to vector<16xf32>
      %swap3A = arith.index_cast %scan3A_101 : i32 to index
      %swap3A_103 = arith.constant 0 : index
      %swap3A_104 = tpu.vector_load %arg9[%swap3A, %swap3A_103] {strides = array<i32>} : memref<128x64xf32, #tpu.memory_space<vmem>>, vector<16xf32>,
      tpu.vector_store %arg9[%swap3A, %swap3A_103], %broadcast_in_dim3A_102 {strides = array<i32>} : memref<128x64xf32, #tpu.memory_space<vmem>>, vector<16xf32>,
      %broadcast_in_dim3A_105 = arith.constant 0.000000e+00 : f32
      %broadcast_in_dim3A_106 = vector.broadcast %broadcast_in_dim3A_105 : f32 to vector<16xf32>
      %swap3A_107 = arith.index_cast %scan3A_101 : i32 to index
      %swap3A_108 = arith.constant 16 : index
      %swap3A_109 = tpu.vector_load %arg9[%swap3A_107, %swap3A_108] {strides = array<i32>} : memref<128x64xf32, #tpu.memory_space<vmem>>, vector<16xf32>,
      tpu.vector_store %arg9[%swap3A_107, %swap3A_108], %broadcast_in_dim3A_106 {strides = array<i32>} : memref<128x64xf32, #tpu.memory_space<vmem>>, vector<16xf32>,
      %broadcast_in_dim3A_110 = arith.constant 0.000000e+00 : f32
      %broadcast_in_dim3A_111 = vector.broadcast %broadcast_in_dim3A_110 : f32 to vector<16xf32>
      %swap3A_112 = arith.index_cast %scan3A_101 : i32 to index
      %swap3A_113 = arith.constant 32 : index
      %swap3A_114 = tpu.vector_load %arg9[%swap3A_112, %swap3A_113] {strides = array<i32>} : memref<128x64xf32, #tpu.memory_space<vmem>>, vector<16xf32>,
      tpu.vector_store %arg9[%swap3A_112, %swap3A_113], %broadcast_in_dim3A_111 {strides = array<i32>} : memref<128x64xf32, #tpu.memory_space<vmem>>, vector<16xf32>,
      %broadcast_in_dim3A_115 = arith.constant 0.000000e+00 : f32
      %broadcast_in_dim3A_116 = vector.broadcast %broadcast_in_dim3A_115 : f32 to vector<16xf32>
      %swap3A_117 = arith.index_cast %scan3A_101 : i32 to index
      %swap3A_118 = arith.constant 48 : index
      %swap3A_119 = tpu.vector_load %arg9[%swap3A_117, %swap3A_118] {strides = array<i32>} : memref<128x64xf32, #tpu.memory_space<vmem>>, vector<16xf32>,
      tpu.vector_store %arg9[%swap3A_117, %swap3A_118], %broadcast_in_dim3A_116 {strides = array<i32>} : memref<128x64xf32, #tpu.memory_space<vmem>>, vector<16xf32>,
    }
    %scan3A_14 = arith.constant 128 : i32
    %mul3A_15 = arith.constant 640 : i32
    %mul3A_16 = arith.muli %arg1, %mul3A_15 : i32
    %add3A_17 = arith.constant 0 : i32
    %add3A_18 = arith.addi %mul3A_16, %add3A_17 : i32
    "tpu.region"() ({
      %run_scoped3A_101 = tpu.sem_alloc : memref<!tpu.dma_semaphore, #tpu.memory_space<semaphore_mem>>
      %dma_start3A_102 = arith.constant 0 : i32
      %dma_start3A_103 = tpu.memref_slice %arg10[%add3A_18, %dma_start3A_102] : memref<10240x64xf32, #tpu.memory_space<vmem_shared>> -> memref<128x64xf32, #tpu.memory_space<vmem_shared>>
      %dma_start3A_104 = arith.constant 0 : i32
      %dma_start3A_105 = tpu.memref_slice %arg10[%add3A_18, %dma_start3A_104] : memref<10240x64xf32, #tpu.memory_space<vmem_shared>> -> memref<128x64xf32, #tpu.memory_space<vmem_shared>>
      tpu.enqueue_dma source(%arg9 : memref<128x64xf32, #tpu.memory_space<vmem>>) target(%dma_start3A_105 : memref<128x64xf32, #tpu.memory_space<vmem_shared>>) target_semaphore(%run_scoped3A_101 : memref<!tpu.dma_semaphore, #tpu.memory_space<semaphore_mem>>)
      %dma_wait3A = arith.constant 0 : i32
      %dma_wait3A_106 = tpu.memref_slice %arg10[%add3A_18, %dma_wait3A] : memref<10240x64xf32, #tpu.memory_space<vmem_shared>> -> memref<128x64xf32, #tpu.memory_space<vmem_shared>>
      %dma_wait3A_107 = arith.constant 0 : i32
      %dma_wait3A_108 = tpu.memref_slice %arg10[%add3A_18, %dma_wait3A_107] : memref<10240x64xf32, #tpu.memory_space<vmem_shared>> -> memref<128x64xf32, #tpu.memory_space<vmem_shared>>
      tpu.wait_dma2 semaphore(%run_scoped3A_101 : memref<!tpu.dma_semaphore, #tpu.memory_space<semaphore_mem>>) src(%arg9 : memref<128x64xf32, #tpu.memory_space<vmem>>) dst(%dma_wait3A_108 : memref<128x64xf32, #tpu.memory_space<vmem_shared>>)
      tpu.yield
    }) : () -> ()
    %mul3A_19 = arith.constant 640 : i32
    %mul3A_20 = arith.muli %arg1, %mul3A_19 : i32
    %add3A_21 = arith.constant 128 : i32
    %add3A_22 = arith.addi %mul3A_20, %add3A_21 : i32
    "tpu.region"() ({
      %run_scoped3A_101 = tpu.sem_alloc : memref<!tpu.dma_semaphore, #tpu.memory_space<semaphore_mem>>
      %dma_start3A_102 = arith.constant 0 : i32
      %dma_start3A_103 = tpu.memref_slice %arg10[%add3A_22, %dma_start3A_102] : memref<10240x64xf32, #tpu.memory_space<vmem_shared>> -> memref<128x64xf32, #tpu.memory_space<vmem_shared>>
      %dma_start3A_104 = arith.constant 0 : i32
      %dma_start3A_105 = tpu.memref_slice %arg10[%add3A_22, %dma_start3A_104] : memref<10240x64xf32, #tpu.memory_space<vmem_shared>> -> memref<128x64xf32, #tpu.memory_space<vmem_shared>>
      tpu.enqueue_dma source(%arg9 : memref<128x64xf32, #tpu.memory_space<vmem>>) target(%dma_start3A_105 : memref<128x64xf32, #tpu.memory_space<vmem_shared>>) target_semaphore(%run_scoped3A_101 : memref<!tpu.dma_semaphore, #tpu.memory_space<semaphore_mem>>)
      %dma_wait3A = arith.constant 0 : i32
      %dma_wait3A_106 = tpu.memref_slice %arg10[%add3A_22, %dma_wait3A] : memref<10240x64xf32, #tpu.memory_space<vmem_shared>> -> memref<128x64xf32, #tpu.memory_space<vmem_shared>>
      %dma_wait3A_107 = arith.constant 0 : i32
      %dma_wait3A_108 = tpu.memref_slice %arg10[%add3A_22, %dma_wait3A_107] : memref<10240x64xf32, #tpu.memory_space<vmem_shared>> -> memref<128x64xf32, #tpu.memory_space<vmem_shared>>
      tpu.wait_dma2 semaphore(%run_scoped3A_101 : memref<!tpu.dma_semaphore, #tpu.memory_space<semaphore_mem>>) src(%arg9 : memref<128x64xf32, #tpu.memory_space<vmem>>) dst(%dma_wait3A_108 : memref<128x64xf32, #tpu.memory_space<vmem_shared>>)
      tpu.yield
    }) : () -> ()
    %mul3A_23 = arith.constant 640 : i32
    %mul3A_24 = arith.muli %arg1, %mul3A_23 : i32
    %add3A_25 = arith.constant 256 : i32
    %add3A_26 = arith.addi %mul3A_24, %add3A_25 : i32
    "tpu.region"() ({
      %run_scoped3A_101 = tpu.sem_alloc : memref<!tpu.dma_semaphore, #tpu.memory_space<semaphore_mem>>
      %dma_start3A_102 = arith.constant 0 : i32
      %dma_start3A_103 = tpu.memref_slice %arg10[%add3A_26, %dma_start3A_102] : memref<10240x64xf32, #tpu.memory_space<vmem_shared>> -> memref<128x64xf32, #tpu.memory_space<vmem_shared>>
      %dma_start3A_104 = arith.constant 0 : i32
      %dma_start3A_105 = tpu.memref_slice %arg10[%add3A_26, %dma_start3A_104] : memref<10240x64xf32, #tpu.memory_space<vmem_shared>> -> memref<128x64xf32, #tpu.memory_space<vmem_shared>>
      tpu.enqueue_dma source(%arg9 : memref<128x64xf32, #tpu.memory_space<vmem>>) target(%dma_start3A_105 : memref<128x64xf32, #tpu.memory_space<vmem_shared>>) target_semaphore(%run_scoped3A_101 : memref<!tpu.dma_semaphore, #tpu.memory_space<semaphore_mem>>)
      %dma_wait3A = arith.constant 0 : i32
      %dma_wait3A_106 = tpu.memref_slice %arg10[%add3A_26, %dma_wait3A] : memref<10240x64xf32, #tpu.memory_space<vmem_shared>> -> memref<128x64xf32, #tpu.memory_space<vmem_shared>>
      %dma_wait3A_107 = arith.constant 0 : i32
      %dma_wait3A_108 = tpu.memref_slice %arg10[%add3A_26, %dma_wait3A_107] : memref<10240x64xf32, #tpu.memory_space<vmem_shared>> -> memref<128x64xf32, #tpu.memory_space<vmem_shared>>
      tpu.wait_dma2 semaphore(%run_scoped3A_101 : memref<!tpu.dma_semaphore, #tpu.memory_space<semaphore_mem>>) src(%arg9 : memref<128x64xf32, #tpu.memory_space<vmem>>) dst(%dma_wait3A_108 : memref<128x64xf32, #tpu.memory_space<vmem_shared>>)
      tpu.yield
    }) : () -> ()
    %mul3A_27 = arith.constant 640 : i32
    %mul3A_28 = arith.muli %arg1, %mul3A_27 : i32
    %add3A_29 = arith.constant 384 : i32
    %add3A_30 = arith.addi %mul3A_28, %add3A_29 : i32
    "tpu.region"() ({
      %run_scoped3A_101 = tpu.sem_alloc : memref<!tpu.dma_semaphore, #tpu.memory_space<semaphore_mem>>
      %dma_start3A_102 = arith.constant 0 : i32
      %dma_start3A_103 = tpu.memref_slice %arg10[%add3A_30, %dma_start3A_102] : memref<10240x64xf32, #tpu.memory_space<vmem_shared>> -> memref<128x64xf32, #tpu.memory_space<vmem_shared>>
      %dma_start3A_104 = arith.constant 0 : i32
      %dma_start3A_105 = tpu.memref_slice %arg10[%add3A_30, %dma_start3A_104] : memref<10240x64xf32, #tpu.memory_space<vmem_shared>> -> memref<128x64xf32, #tpu.memory_space<vmem_shared>>
      tpu.enqueue_dma source(%arg9 : memref<128x64xf32, #tpu.memory_space<vmem>>) target(%dma_start3A_105 : memref<128x64xf32, #tpu.memory_space<vmem_shared>>) target_semaphore(%run_scoped3A_101 : memref<!tpu.dma_semaphore, #tpu.memory_space<semaphore_mem>>)
      %dma_wait3A = arith.constant 0 : i32
      %dma_wait3A_106 = tpu.memref_slice %arg10[%add3A_30, %dma_wait3A] : memref<10240x64xf32, #tpu.memory_space<vmem_shared>> -> memref<128x64xf32, #tpu.memory_space<vmem_shared>>
      %dma_wait3A_107 = arith.constant 0 : i32
      %dma_wait3A_108 = tpu.memref_slice %arg10[%add3A_30, %dma_wait3A_107] : memref<10240x64xf32, #tpu.memory_space<vmem_shared>> -> memref<128x64xf32, #tpu.memory_space<vmem_shared>>
      tpu.wait_dma2 semaphore(%run_scoped3A_101 : memref<!tpu.dma_semaphore, #tpu.memory_space<semaphore_mem>>) src(%arg9 : memref<128x64xf32, #tpu.memory_space<vmem>>) dst(%dma_wait3A_108 : memref<128x64xf32, #tpu.memory_space<vmem_shared>>)
      tpu.yield
    }) : () -> ()
    %mul3A_31 = arith.constant 640 : i32
    %mul3A_32 = arith.muli %arg1, %mul3A_31 : i32
    %add3A_33 = arith.constant 512 : i32
    %add3A_34 = arith.addi %mul3A_32, %add3A_33 : i32
    "tpu.region"() ({
      %run_scoped3A_101 = tpu.sem_alloc : memref<!tpu.dma_semaphore, #tpu.memory_space<semaphore_mem>>
      %dma_start3A_102 = arith.constant 0 : i32
      %dma_start3A_103 = tpu.memref_slice %arg10[%add3A_34, %dma_start3A_102] : memref<10240x64xf32, #tpu.memory_space<vmem_shared>> -> memref<128x64xf32, #tpu.memory_space<vmem_shared>>
      %dma_start3A_104 = arith.constant 0 : i32
      %dma_start3A_105 = tpu.memref_slice %arg10[%add3A_34, %dma_start3A_104] : memref<10240x64xf32, #tpu.memory_space<vmem_shared>> -> memref<128x64xf32, #tpu.memory_space<vmem_shared>>
      tpu.enqueue_dma source(%arg9 : memref<128x64xf32, #tpu.memory_space<vmem>>) target(%dma_start3A_105 : memref<128x64xf32, #tpu.memory_space<vmem_shared>>) target_semaphore(%run_scoped3A_101 : memref<!tpu.dma_semaphore, #tpu.memory_space<semaphore_mem>>)
      %dma_wait3A = arith.constant 0 : i32
      %dma_wait3A_106 = tpu.memref_slice %arg10[%add3A_34, %dma_wait3A] : memref<10240x64xf32, #tpu.memory_space<vmem_shared>> -> memref<128x64xf32, #tpu.memory_space<vmem_shared>>
      %dma_wait3A_107 = arith.constant 0 : i32
      %dma_wait3A_108 = tpu.memref_slice %arg10[%add3A_34, %dma_wait3A_107] : memref<10240x64xf32, #tpu.memory_space<vmem_shared>> -> memref<128x64xf32, #tpu.memory_space<vmem_shared>>
      tpu.wait_dma2 semaphore(%run_scoped3A_101 : memref<!tpu.dma_semaphore, #tpu.memory_space<semaphore_mem>>) src(%arg9 : memref<128x64xf32, #tpu.memory_space<vmem>>) dst(%dma_wait3A_108 : memref<128x64xf32, #tpu.memory_space<vmem_shared>>)
      tpu.yield
    }) : () -> ()
    %barrier3A = arith.constant 0 : index
    tpu.barrier barrier_id(%barrier3A)
    %dma_start3A = arith.constant 0 : i32
    %dma_start3A_35 = tpu.memref_slice %arg5[%dma_start3A] : memref<10000xi32, #tpu.memory_space<vmem>> -> memref<128xi32, #tpu.memory_space<vmem>>
    %dma_start3A_36 = arith.constant 0 : i32
    %dma_start3A_37 = arith.constant 0 : i32
    %dma_start3A_38 = tpu.memref_slice %arg2[%dma_start3A_36, %dma_start3A_37] : memref<20000x64xf32, #tpu.memory_space<hbm>> -> memref<20000x64xf32, #tpu.memory_space<hbm>>
    tpu.enqueue_indirect_dma source(%dma_start3A_38 : memref<20000x64xf32, #tpu.memory_space<hbm>>) target(%arg7 : memref<128x64xf32, #tpu.memory_space<vmem>>) offsets(%dma_start3A_35 : memref<128xi32, #tpu.memory_space<vmem>>) semaphore(%arg11 : memref<!tpu.dma_semaphore, #tpu.memory_space<semaphore_mem>>)
    %scan3A_39 = arith.constant 0 : i32
    %scan3A_40 = arith.constant 0 : i32
    %scan3A_41 = arith.constant 39 : i32
    %scan3A_42 = arith.addi %scan3A_40, %scan3A_41 : i32
    %scan3A_43 = arith.constant 1 : i32
    scf.for %scan3A_101 = %scan3A_40 to %scan3A_42 step %scan3A_43  : i32 {
      %mul3A_102 = arith.constant 2 : i32
      %mul3A_103 = arith.muli %mul3A_102, %scan3A_101 : i32
      %add3A_104 = arith.constant 1 : i32
      %add3A_105 = arith.addi %mul3A_103, %add3A_104 : i32
      %mul3A_106 = arith.constant 128 : i32
      %mul3A_107 = arith.muli %add3A_105, %mul3A_106 : i32
      %dma_start3A_108 = tpu.memref_slice %arg5[%mul3A_107] : memref<10000xi32, #tpu.memory_space<vmem>> -> memref<128xi32, #tpu.memory_space<vmem>>
      %dma_start3A_109 = arith.constant 0 : i32
      %dma_start3A_110 = arith.constant 0 : i32
      %dma_start3A_111 = tpu.memref_slice %arg2[%dma_start3A_109, %dma_start3A_110] : memref<20000x64xf32, #tpu.memory_space<hbm>> -> memref<20000x64xf32, #tpu.memory_space<hbm>>
      tpu.enqueue_indirect_dma source(%dma_start3A_111 : memref<20000x64xf32, #tpu.memory_space<hbm>>) target(%arg8 : memref<128x64xf32, #tpu.memory_space<vmem>>) offsets(%dma_start3A_108 : memref<128xi32, #tpu.memory_space<vmem>>) semaphore(%arg11 : memref<!tpu.dma_semaphore, #tpu.memory_space<semaphore_mem>>)
      %mul3A_112 = arith.constant 128 : i32
      %mul3A_113 = arith.muli %mul3A_103, %mul3A_112 : i32
      %dma_wait3A = tpu.memref_slice %arg5[%mul3A_113] : memref<10000xi32, #tpu.memory_space<vmem>> -> memref<128xi32, #tpu.memory_space<vmem>>
      %dma_wait3A_114 = arith.constant 0 : i32
      %dma_wait3A_115 = arith.constant 0 : i32
      %dma_wait3A_116 = tpu.memref_slice %arg2[%dma_wait3A_114, %dma_wait3A_115] : memref<20000x64xf32, #tpu.memory_space<hbm>> -> memref<20000x64xf32, #tpu.memory_space<hbm>>
      tpu.wait_indirect_dma semaphore(%arg11 : memref<!tpu.dma_semaphore, #tpu.memory_space<semaphore_mem>>) src(%dma_wait3A_116 : memref<20000x64xf32, #tpu.memory_space<hbm>>) dst(%arg7 : memref<128x64xf32, #tpu.memory_space<vmem>>)
      %mul3A_117 = arith.constant 128 : i32
      %mul3A_118 = arith.muli %mul3A_103, %mul3A_117 : i32
      "tpu.region"() ({
        %run_scoped3A_131 = tpu.sem_alloc : memref<!tpu.dma_semaphore, #tpu.memory_space<semaphore_mem>>
        %dma_start3A_132 = tpu.memref_slice %arg6[%mul3A_118] : memref<10000xi32, #tpu.memory_space<vmem>> -> memref<128xi32, #tpu.memory_space<vmem>>
        %dma_start3A_133 = arith.constant 0 : i32
        %dma_start3A_134 = arith.constant 0 : i32
        %dma_start3A_135 = tpu.memref_slice %arg10[%dma_start3A_133, %dma_start3A_134] : memref<10240x64xf32, #tpu.memory_space<vmem_shared>> -> memref<10240x64xf32, #tpu.memory_space<vmem_shared>>
        tpu.enqueue_indirect_dma source(%arg7 : memref<128x64xf32, #tpu.memory_space<vmem>>) target(%dma_start3A_135 : memref<10240x64xf32, #tpu.memory_space<vmem_shared>>) offsets(%dma_start3A_132 : memref<128xi32, #tpu.memory_space<vmem>>) semaphore(%run_scoped3A_131 : memref<!tpu.dma_semaphore, #tpu.memory_space<semaphore_mem>>) {add = true}
        %dma_wait3A_136 = tpu.memref_slice %arg6[%mul3A_118] : memref<10000xi32, #tpu.memory_space<vmem>> -> memref<128xi32, #tpu.memory_space<vmem>>
        %dma_wait3A_137 = arith.constant 0 : i32
        %dma_wait3A_138 = arith.constant 0 : i32
        %dma_wait3A_139 = tpu.memref_slice %arg10[%dma_wait3A_137, %dma_wait3A_138] : memref<10240x64xf32, #tpu.memory_space<vmem_shared>> -> memref<10240x64xf32, #tpu.memory_space<vmem_shared>>
        tpu.wait_indirect_dma semaphore(%run_scoped3A_131 : memref<!tpu.dma_semaphore, #tpu.memory_space<semaphore_mem>>) src(%arg7 : memref<128x64xf32, #tpu.memory_space<vmem>>) dst(%dma_wait3A_139 : memref<10240x64xf32, #tpu.memory_space<vmem_shared>>)
        tpu.yield
      }) : () -> ()
      %add3A_119 = arith.constant 1 : i32
      %add3A_120 = arith.addi %add3A_105, %add3A_119 : i32
      %lt3A = arith.constant 78 : i32
      %lt3A_121 = arith.cmpi slt, %add3A_120, %lt3A : i32
      %convert_element_type3A = arith.extui %lt3A_121 : i1 to i32
      %cond3A = arith.constant 0 : i32
      %cond3A_122 = arith.cmpi ne, %convert_element_type3A, %cond3A : i32
      scf.if %cond3A_122 {
        %add3A_131 = arith.constant 1 : i32
        %add3A_132 = arith.addi %add3A_105, %add3A_131 : i32
        %mul3A_133 = arith.constant 128 : i32
        %mul3A_134 = arith.muli %add3A_132, %mul3A_133 : i32
        %dma_start3A_135 = tpu.memref_slice %arg5[%mul3A_134] : memref<10000xi32, #tpu.memory_space<vmem>> -> memref<128xi32, #tpu.memory_space<vmem>>
        %dma_start3A_136 = arith.constant 0 : i32
        %dma_start3A_137 = arith.constant 0 : i32
        %dma_start3A_138 = tpu.memref_slice %arg2[%dma_start3A_136, %dma_start3A_137] : memref<20000x64xf32, #tpu.memory_space<hbm>> -> memref<20000x64xf32, #tpu.memory_space<hbm>>
        tpu.enqueue_indirect_dma source(%dma_start3A_138 : memref<20000x64xf32, #tpu.memory_space<hbm>>) target(%arg7 : memref<128x64xf32, #tpu.memory_space<vmem>>) offsets(%dma_start3A_135 : memref<128xi32, #tpu.memory_space<vmem>>) semaphore(%arg11 : memref<!tpu.dma_semaphore, #tpu.memory_space<semaphore_mem>>)
      } else {
      }
      %mul3A_123 = arith.constant 128 : i32
      %mul3A_124 = arith.muli %add3A_105, %mul3A_123 : i32
      %dma_wait3A_125 = tpu.memref_slice %arg5[%mul3A_124] : memref<10000xi32, #tpu.memory_space<vmem>> -> memref<128xi32, #tpu.memory_space<vmem>>
      %dma_wait3A_126 = arith.constant 0 : i32
      %dma_wait3A_127 = arith.constant 0 : i32
      %dma_wait3A_128 = tpu.memref_slice %arg2[%dma_wait3A_126, %dma_wait3A_127] : memref<20000x64xf32, #tpu.memory_space<hbm>> -> memref<20000x64xf32, #tpu.memory_space<hbm>>
      tpu.wait_indirect_dma semaphore(%arg11 : memref<!tpu.dma_semaphore, #tpu.memory_space<semaphore_mem>>) src(%dma_wait3A_128 : memref<20000x64xf32, #tpu.memory_space<hbm>>) dst(%arg8 : memref<128x64xf32, #tpu.memory_space<vmem>>)
      %mul3A_129 = arith.constant 128 : i32
      %mul3A_130 = arith.muli %add3A_105, %mul3A_129 : i32
      "tpu.region"() ({
        %run_scoped3A_131 = tpu.sem_alloc : memref<!tpu.dma_semaphore, #tpu.memory_space<semaphore_mem>>
        %dma_start3A_132 = tpu.memref_slice %arg6[%mul3A_130] : memref<10000xi32, #tpu.memory_space<vmem>> -> memref<128xi32, #tpu.memory_space<vmem>>
        %dma_start3A_133 = arith.constant 0 : i32
        %dma_start3A_134 = arith.constant 0 : i32
        %dma_start3A_135 = tpu.memref_slice %arg10[%dma_start3A_133, %dma_start3A_134] : memref<10240x64xf32, #tpu.memory_space<vmem_shared>> -> memref<10240x64xf32, #tpu.memory_space<vmem_shared>>
        tpu.enqueue_indirect_dma source(%arg8 : memref<128x64xf32, #tpu.memory_space<vmem>>) target(%dma_start3A_135 : memref<10240x64xf32, #tpu.memory_space<vmem_shared>>) offsets(%dma_start3A_132 : memref<128xi32, #tpu.memory_space<vmem>>) semaphore(%run_scoped3A_131 : memref<!tpu.dma_semaphore, #tpu.memory_space<semaphore_mem>>) {add = true}
        %dma_wait3A_136 = tpu.memref_slice %arg6[%mul3A_130] : memref<10000xi32, #tpu.memory_space<vmem>> -> memref<128xi32, #tpu.memory_space<vmem>>
        %dma_wait3A_137 = arith.constant 0 : i32
        %dma_wait3A_138 = arith.constant 0 : i32
        %dma_wait3A_139 = tpu.memref_slice %arg10[%dma_wait3A_137, %dma_wait3A_138] : memref<10240x64xf32, #tpu.memory_space<vmem_shared>> -> memref<10240x64xf32, #tpu.memory_space<vmem_shared>>
        tpu.wait_indirect_dma semaphore(%run_scoped3A_131 : memref<!tpu.dma_semaphore, #tpu.memory_space<semaphore_mem>>) src(%arg8 : memref<128x64xf32, #tpu.memory_space<vmem>>) dst(%dma_wait3A_139 : memref<10240x64xf32, #tpu.memory_space<vmem_shared>>)
        tpu.yield
      }) : () -> ()
    }
    %scan3A_44 = arith.constant 39 : i32
    "tpu.region"() ({
      %run_scoped3A_101 = tpu.sem_alloc : memref<!tpu.dma_semaphore, #tpu.memory_space<semaphore_mem>>
      %dma_start3A_102 = arith.constant 0 : i32
      %dma_start3A_103 = arith.constant 0 : i32
      %dma_start3A_104 = tpu.memref_slice %arg7[%dma_start3A_102, %dma_start3A_103] : memref<128x64xf32, #tpu.memory_space<vmem>> -> memref<16x64xf32, #tpu.memory_space<vmem>>
      %dma_start3A_105 = arith.constant 9984 : i32
      %dma_start3A_106 = tpu.memref_slice %arg5[%dma_start3A_105] : memref<10000xi32, #tpu.memory_space<vmem>> -> memref<16xi32, #tpu.memory_space<vmem>>
      %dma_start3A_107 = arith.constant 0 : i32
      %dma_start3A_108 = arith.constant 0 : i32
      %dma_start3A_109 = tpu.memref_slice %arg2[%dma_start3A_107, %dma_start3A_108] : memref<20000x64xf32, #tpu.memory_space<hbm>> -> memref<20000x64xf32, #tpu.memory_space<hbm>>
      tpu.enqueue_indirect_dma source(%dma_start3A_109 : memref<20000x64xf32, #tpu.memory_space<hbm>>) target(%dma_start3A_104 : memref<16x64xf32, #tpu.memory_space<vmem>>) offsets(%dma_start3A_106 : memref<16xi32, #tpu.memory_space<vmem>>) semaphore(%run_scoped3A_101 : memref<!tpu.dma_semaphore, #tpu.memory_space<semaphore_mem>>)
      %dma_wait3A = arith.constant 0 : i32
      %dma_wait3A_110 = arith.constant 0 : i32
      %dma_wait3A_111 = tpu.memref_slice %arg7[%dma_wait3A, %dma_wait3A_110] : memref<128x64xf32, #tpu.memory_space<vmem>> -> memref<16x64xf32, #tpu.memory_space<vmem>>
      %dma_wait3A_112 = arith.constant 9984 : i32
      %dma_wait3A_113 = tpu.memref_slice %arg5[%dma_wait3A_112] : memref<10000xi32, #tpu.memory_space<vmem>> -> memref<16xi32, #tpu.memory_space<vmem>>
      %dma_wait3A_114 = arith.constant 0 : i32
      %dma_wait3A_115 = arith.constant 0 : i32
      %dma_wait3A_116 = tpu.memref_slice %arg2[%dma_wait3A_114, %dma_wait3A_115] : memref<20000x64xf32, #tpu.memory_space<hbm>> -> memref<20000x64xf32, #tpu.memory_space<hbm>>
      tpu.wait_indirect_dma semaphore(%run_scoped3A_101 : memref<!tpu.dma_semaphore, #tpu.memory_space<semaphore_mem>>) src(%dma_wait3A_116 : memref<20000x64xf32, #tpu.memory_space<hbm>>) dst(%dma_wait3A_111 : memref<16x64xf32, #tpu.memory_space<vmem>>)
      tpu.yield
    }) : () -> ()
    "tpu.region"() ({
      %run_scoped3A_101 = tpu.sem_alloc : memref<!tpu.dma_semaphore, #tpu.memory_space<semaphore_mem>>
      %dma_start3A_102 = arith.constant 0 : i32
      %dma_start3A_103 = arith.constant 0 : i32
      %dma_start3A_104 = tpu.memref_slice %arg7[%dma_start3A_102, %dma_start3A_103] : memref<128x64xf32, #tpu.memory_space<vmem>> -> memref<16x64xf32, #tpu.memory_space<vmem>>
      %dma_start3A_105 = arith.constant 9984 : i32
      %dma_start3A_106 = tpu.memref_slice %arg6[%dma_start3A_105] : memref<10000xi32, #tpu.memory_space<vmem>> -> memref<16xi32, #tpu.memory_space<vmem>>
      %dma_start3A_107 = arith.constant 0 : i32
      %dma_start3A_108 = arith.constant 0 : i32
      %dma_start3A_109 = tpu.memref_slice %arg10[%dma_start3A_107, %dma_start3A_108] : memref<10240x64xf32, #tpu.memory_space<vmem_shared>> -> memref<10240x64xf32, #tpu.memory_space<vmem_shared>>
      tpu.enqueue_indirect_dma source(%dma_start3A_104 : memref<16x64xf32, #tpu.memory_space<vmem>>) target(%dma_start3A_109 : memref<10240x64xf32, #tpu.memory_space<vmem_shared>>) offsets(%dma_start3A_106 : memref<16xi32, #tpu.memory_space<vmem>>) semaphore(%run_scoped3A_101 : memref<!tpu.dma_semaphore, #tpu.memory_space<semaphore_mem>>) {add = true}
      %dma_wait3A = arith.constant 0 : i32
      %dma_wait3A_110 = arith.constant 0 : i32
      %dma_wait3A_111 = tpu.memref_slice %arg7[%dma_wait3A, %dma_wait3A_110] : memref<128x64xf32, #tpu.memory_space<vmem>> -> memref<16x64xf32, #tpu.memory_space<vmem>>
      %dma_wait3A_112 = arith.constant 9984 : i32
      %dma_wait3A_113 = tpu.memref_slice %arg6[%dma_wait3A_112] : memref<10000xi32, #tpu.memory_space<vmem>> -> memref<16xi32, #tpu.memory_space<vmem>>
      %dma_wait3A_114 = arith.constant 0 : i32
      %dma_wait3A_115 = arith.constant 0 : i32
      %dma_wait3A_116 = tpu.memref_slice %arg10[%dma_wait3A_114, %dma_wait3A_115] : memref<10240x64xf32, #tpu.memory_space<vmem_shared>> -> memref<10240x64xf32, #tpu.memory_space<vmem_shared>>
      tpu.wait_indirect_dma semaphore(%run_scoped3A_101 : memref<!tpu.dma_semaphore, #tpu.memory_space<semaphore_mem>>) src(%dma_wait3A_111 : memref<16x64xf32, #tpu.memory_space<vmem>>) dst(%dma_wait3A_116 : memref<10240x64xf32, #tpu.memory_space<vmem_shared>>)
      tpu.yield
    }) : () -> ()
    %barrier3A_45 = arith.constant 0 : index
    tpu.barrier barrier_id(%barrier3A_45)
    %mul3A_46 = arith.constant 640 : i32
    %mul3A_47 = arith.muli %arg1, %mul3A_46 : i32
    %mul3A_48 = arith.constant 640 : i32
    %mul3A_49 = arith.muli %arg1, %mul3A_48 : i32
    "tpu.region"() ({
      %run_scoped3A_101 = tpu.sem_alloc : memref<!tpu.dma_semaphore, #tpu.memory_space<semaphore_mem>>
      %dma_start3A_102 = arith.constant 0 : i32
      %dma_start3A_103 = tpu.memref_slice %arg4[%arg0, %mul3A_49, %dma_start3A_102] : memref<2x10240x128xf32, #tpu.memory_space<hbm>> -> memref<1x640x64xf32, #tpu.memory_space<hbm>>
      %dma_start3A_104 = tpu.memref_squeeze %dma_start3A_103 : memref<1x640x64xf32, #tpu.memory_space<hbm>> -> memref<640x64xf32, #tpu.memory_space<hbm>>
      %dma_start3A_105 = arith.constant 0 : i32
      %dma_start3A_106 = tpu.memref_slice %arg10[%mul3A_47, %dma_start3A_105] : memref<10240x64xf32, #tpu.memory_space<vmem_shared>> -> memref<640x64xf32, #tpu.memory_space<vmem_shared>>
      tpu.enqueue_dma source(%dma_start3A_106 : memref<640x64xf32, #tpu.memory_space<vmem_shared>>) target(%dma_start3A_104 : memref<640x64xf32, #tpu.memory_space<hbm>>) target_semaphore(%run_scoped3A_101 : memref<!tpu.dma_semaphore, #tpu.memory_space<semaphore_mem>>)
      %dma_wait3A = arith.constant 0 : i32
      %dma_wait3A_107 = tpu.memref_slice %arg4[%arg0, %mul3A_49, %dma_wait3A] : memref<2x10240x128xf32, #tpu.memory_space<hbm>> -> memref<1x640x64xf32, #tpu.memory_space<hbm>>
      %dma_wait3A_108 = tpu.memref_squeeze %dma_wait3A_107 : memref<1x640x64xf32, #tpu.memory_space<hbm>> -> memref<640x64xf32, #tpu.memory_space<hbm>>
      %dma_wait3A_109 = arith.constant 0 : i32
      %dma_wait3A_110 = tpu.memref_slice %arg10[%mul3A_47, %dma_wait3A_109] : memref<10240x64xf32, #tpu.memory_space<vmem_shared>> -> memref<640x64xf32, #tpu.memory_space<vmem_shared>>
      tpu.wait_dma2 semaphore(%run_scoped3A_101 : memref<!tpu.dma_semaphore, #tpu.memory_space<semaphore_mem>>) src(%dma_wait3A_110 : memref<640x64xf32, #tpu.memory_space<vmem_shared>>) dst(%dma_wait3A_108 : memref<640x64xf32, #tpu.memory_space<hbm>>)
      tpu.yield
    }) : () -> ()
    %barrier3A_50 = arith.constant 0 : index
    tpu.barrier barrier_id(%barrier3A_50)
    %scan3A_51 = arith.constant 0 : i32
    %scan3A_52 = arith.constant 0 : i32
    %scan3A_53 = arith.constant 625 : i32
    %scan3A_54 = arith.addi %scan3A_52, %scan3A_53 : i32
    %scan3A_55 = arith.constant 1 : i32
    scf.for %scan3A_101 = %scan3A_52 to %scan3A_54 step %scan3A_55  : i32 {
      %mul3A_102 = arith.constant 16 : i32
      %mul3A_103 = arith.muli %scan3A_101, %mul3A_102 : i32
      %get3A = arith.index_cast %mul3A_103 : i32 to index
      %get3A_104 = tpu.vector_load %arg5[%get3A] {strides = array<i32>} : memref<10000xi32, #tpu.memory_space<vmem>>, vector<16xi32>,
      %add3A_105 = arith.constant 1 : i32
      %add3A_106 = vector.broadcast %add3A_105 : i32 to vector<16xi32>
      %add3A_107 = arith.addi %get3A_104, %add3A_106 : vector<16xi32>
      %mul3A_108 = arith.constant 16 : i32
      %mul3A_109 = arith.muli %scan3A_101, %mul3A_108 : i32
      %swap3A = arith.index_cast %mul3A_109 : i32 to index
      %swap3A_110 = tpu.vector_load %arg5[%swap3A] {strides = array<i32>} : memref<10000xi32, #tpu.memory_space<vmem>>, vector<16xi32>,
      tpu.vector_store %arg5[%swap3A], %add3A_107 {strides = array<i32>} : memref<10000xi32, #tpu.memory_space<vmem>>, vector<16xi32>,
    }
    %scan3A_56 = arith.constant 625 : i32
    %scan3A_57 = arith.constant 0 : i32
    %scan3A_58 = arith.constant 0 : i32
    %scan3A_59 = arith.constant 128 : i32
    %scan3A_60 = arith.addi %scan3A_58, %scan3A_59 : i32
    %scan3A_61 = arith.constant 1 : i32
    scf.for %scan3A_101 = %scan3A_58 to %scan3A_60 step %scan3A_61  : i32 {
      %broadcast_in_dim3A = arith.constant 0.000000e+00 : f32
      %broadcast_in_dim3A_102 = vector.broadcast %broadcast_in_dim3A : f32 to vector<16xf32>
      %swap3A = arith.index_cast %scan3A_101 : i32 to index
      %swap3A_103 = arith.constant 0 : index
      %swap3A_104 = tpu.vector_load %arg9[%swap3A, %swap3A_103] {strides = array<i32>} : memref<128x64xf32, #tpu.memory_space<vmem>>, vector<16xf32>,
      tpu.vector_store %arg9[%swap3A, %swap3A_103], %broadcast_in_dim3A_102 {strides = array<i32>} : memref<128x64xf32, #tpu.memory_space<vmem>>, vector<16xf32>,
      %broadcast_in_dim3A_105 = arith.constant 0.000000e+00 : f32
      %broadcast_in_dim3A_106 = vector.broadcast %broadcast_in_dim3A_105 : f32 to vector<16xf32>
      %swap3A_107 = arith.index_cast %scan3A_101 : i32 to index
      %swap3A_108 = arith.constant 16 : index
      %swap3A_109 = tpu.vector_load %arg9[%swap3A_107, %swap3A_108] {strides = array<i32>} : memref<128x64xf32, #tpu.memory_space<vmem>>, vector<16xf32>,
      tpu.vector_store %arg9[%swap3A_107, %swap3A_108], %broadcast_in_dim3A_106 {strides = array<i32>} : memref<128x64xf32, #tpu.memory_space<vmem>>, vector<16xf32>,
      %broadcast_in_dim3A_110 = arith.constant 0.000000e+00 : f32
      %broadcast_in_dim3A_111 = vector.broadcast %broadcast_in_dim3A_110 : f32 to vector<16xf32>
      %swap3A_112 = arith.index_cast %scan3A_101 : i32 to index
      %swap3A_113 = arith.constant 32 : index
      %swap3A_114 = tpu.vector_load %arg9[%swap3A_112, %swap3A_113] {strides = array<i32>} : memref<128x64xf32, #tpu.memory_space<vmem>>, vector<16xf32>,
      tpu.vector_store %arg9[%swap3A_112, %swap3A_113], %broadcast_in_dim3A_111 {strides = array<i32>} : memref<128x64xf32, #tpu.memory_space<vmem>>, vector<16xf32>,
      %broadcast_in_dim3A_115 = arith.constant 0.000000e+00 : f32
      %broadcast_in_dim3A_116 = vector.broadcast %broadcast_in_dim3A_115 : f32 to vector<16xf32>
      %swap3A_117 = arith.index_cast %scan3A_101 : i32 to index
      %swap3A_118 = arith.constant 48 : index
      %swap3A_119 = tpu.vector_load %arg9[%swap3A_117, %swap3A_118] {strides = array<i32>} : memref<128x64xf32, #tpu.memory_space<vmem>>, vector<16xf32>,
      tpu.vector_store %arg9[%swap3A_117, %swap3A_118], %broadcast_in_dim3A_116 {strides = array<i32>} : memref<128x64xf32, #tpu.memory_space<vmem>>, vector<16xf32>,
    }
    %scan3A_62 = arith.constant 128 : i32
    %mul3A_63 = arith.constant 640 : i32
    %mul3A_64 = arith.muli %arg1, %mul3A_63 : i32
    %add3A_65 = arith.constant 0 : i32
    %add3A_66 = arith.addi %mul3A_64, %add3A_65 : i32
    "tpu.region"() ({
      %run_scoped3A_101 = tpu.sem_alloc : memref<!tpu.dma_semaphore, #tpu.memory_space<semaphore_mem>>
      %dma_start3A_102 = arith.constant 0 : i32
      %dma_start3A_103 = tpu.memref_slice %arg10[%add3A_66, %dma_start3A_102] : memref<10240x64xf32, #tpu.memory_space<vmem_shared>> -> memref<128x64xf32, #tpu.memory_space<vmem_shared>>
      %dma_start3A_104 = arith.constant 0 : i32
      %dma_start3A_105 = tpu.memref_slice %arg10[%add3A_66, %dma_start3A_104] : memref<10240x64xf32, #tpu.memory_space<vmem_shared>> -> memref<128x64xf32, #tpu.memory_space<vmem_shared>>
      tpu.enqueue_dma source(%arg9 : memref<128x64xf32, #tpu.memory_space<vmem>>) target(%dma_start3A_105 : memref<128x64xf32, #tpu.memory_space<vmem_shared>>) target_semaphore(%run_scoped3A_101 : memref<!tpu.dma_semaphore, #tpu.memory_space<semaphore_mem>>)
      %dma_wait3A = arith.constant 0 : i32
      %dma_wait3A_106 = tpu.memref_slice %arg10[%add3A_66, %dma_wait3A] : memref<10240x64xf32, #tpu.memory_space<vmem_shared>> -> memref<128x64xf32, #tpu.memory_space<vmem_shared>>
      %dma_wait3A_107 = arith.constant 0 : i32
      %dma_wait3A_108 = tpu.memref_slice %arg10[%add3A_66, %dma_wait3A_107] : memref<10240x64xf32, #tpu.memory_space<vmem_shared>> -> memref<128x64xf32, #tpu.memory_space<vmem_shared>>
      tpu.wait_dma2 semaphore(%run_scoped3A_101 : memref<!tpu.dma_semaphore, #tpu.memory_space<semaphore_mem>>) src(%arg9 : memref<128x64xf32, #tpu.memory_space<vmem>>) dst(%dma_wait3A_108 : memref<128x64xf32, #tpu.memory_space<vmem_shared>>)
      tpu.yield
    }) : () -> ()
    %mul3A_67 = arith.constant 640 : i32
    %mul3A_68 = arith.muli %arg1, %mul3A_67 : i32
    %add3A_69 = arith.constant 128 : i32
    %add3A_70 = arith.addi %mul3A_68, %add3A_69 : i32
    "tpu.region"() ({
      %run_scoped3A_101 = tpu.sem_alloc : memref<!tpu.dma_semaphore, #tpu.memory_space<semaphore_mem>>
      %dma_start3A_102 = arith.constant 0 : i32
      %dma_start3A_103 = tpu.memref_slice %arg10[%add3A_70, %dma_start3A_102] : memref<10240x64xf32, #tpu.memory_space<vmem_shared>> -> memref<128x64xf32, #tpu.memory_space<vmem_shared>>
      %dma_start3A_104 = arith.constant 0 : i32
      %dma_start3A_105 = tpu.memref_slice %arg10[%add3A_70, %dma_start3A_104] : memref<10240x64xf32, #tpu.memory_space<vmem_shared>> -> memref<128x64xf32, #tpu.memory_space<vmem_shared>>
      tpu.enqueue_dma source(%arg9 : memref<128x64xf32, #tpu.memory_space<vmem>>) target(%dma_start3A_105 : memref<128x64xf32, #tpu.memory_space<vmem_shared>>) target_semaphore(%run_scoped3A_101 : memref<!tpu.dma_semaphore, #tpu.memory_space<semaphore_mem>>)
      %dma_wait3A = arith.constant 0 : i32
      %dma_wait3A_106 = tpu.memref_slice %arg10[%add3A_70, %dma_wait3A] : memref<10240x64xf32, #tpu.memory_space<vmem_shared>> -> memref<128x64xf32, #tpu.memory_space<vmem_shared>>
      %dma_wait3A_107 = arith.constant 0 : i32
      %dma_wait3A_108 = tpu.memref_slice %arg10[%add3A_70, %dma_wait3A_107] : memref<10240x64xf32, #tpu.memory_space<vmem_shared>> -> memref<128x64xf32, #tpu.memory_space<vmem_shared>>
      tpu.wait_dma2 semaphore(%run_scoped3A_101 : memref<!tpu.dma_semaphore, #tpu.memory_space<semaphore_mem>>) src(%arg9 : memref<128x64xf32, #tpu.memory_space<vmem>>) dst(%dma_wait3A_108 : memref<128x64xf32, #tpu.memory_space<vmem_shared>>)
      tpu.yield
    }) : () -> ()
    %mul3A_71 = arith.constant 640 : i32
    %mul3A_72 = arith.muli %arg1, %mul3A_71 : i32
    %add3A_73 = arith.constant 256 : i32
    %add3A_74 = arith.addi %mul3A_72, %add3A_73 : i32
    "tpu.region"() ({
      %run_scoped3A_101 = tpu.sem_alloc : memref<!tpu.dma_semaphore, #tpu.memory_space<semaphore_mem>>
      %dma_start3A_102 = arith.constant 0 : i32
      %dma_start3A_103 = tpu.memref_slice %arg10[%add3A_74, %dma_start3A_102] : memref<10240x64xf32, #tpu.memory_space<vmem_shared>> -> memref<128x64xf32, #tpu.memory_space<vmem_shared>>
      %dma_start3A_104 = arith.constant 0 : i32
      %dma_start3A_105 = tpu.memref_slice %arg10[%add3A_74, %dma_start3A_104] : memref<10240x64xf32, #tpu.memory_space<vmem_shared>> -> memref<128x64xf32, #tpu.memory_space<vmem_shared>>
      tpu.enqueue_dma source(%arg9 : memref<128x64xf32, #tpu.memory_space<vmem>>) target(%dma_start3A_105 : memref<128x64xf32, #tpu.memory_space<vmem_shared>>) target_semaphore(%run_scoped3A_101 : memref<!tpu.dma_semaphore, #tpu.memory_space<semaphore_mem>>)
      %dma_wait3A = arith.constant 0 : i32
      %dma_wait3A_106 = tpu.memref_slice %arg10[%add3A_74, %dma_wait3A] : memref<10240x64xf32, #tpu.memory_space<vmem_shared>> -> memref<128x64xf32, #tpu.memory_space<vmem_shared>>
      %dma_wait3A_107 = arith.constant 0 : i32
      %dma_wait3A_108 = tpu.memref_slice %arg10[%add3A_74, %dma_wait3A_107] : memref<10240x64xf32, #tpu.memory_space<vmem_shared>> -> memref<128x64xf32, #tpu.memory_space<vmem_shared>>
      tpu.wait_dma2 semaphore(%run_scoped3A_101 : memref<!tpu.dma_semaphore, #tpu.memory_space<semaphore_mem>>) src(%arg9 : memref<128x64xf32, #tpu.memory_space<vmem>>) dst(%dma_wait3A_108 : memref<128x64xf32, #tpu.memory_space<vmem_shared>>)
      tpu.yield
    }) : () -> ()
    %mul3A_75 = arith.constant 640 : i32
    %mul3A_76 = arith.muli %arg1, %mul3A_75 : i32
    %add3A_77 = arith.constant 384 : i32
    %add3A_78 = arith.addi %mul3A_76, %add3A_77 : i32
    "tpu.region"() ({
      %run_scoped3A_101 = tpu.sem_alloc : memref<!tpu.dma_semaphore, #tpu.memory_space<semaphore_mem>>
      %dma_start3A_102 = arith.constant 0 : i32
      %dma_start3A_103 = tpu.memref_slice %arg10[%add3A_78, %dma_start3A_102] : memref<10240x64xf32, #tpu.memory_space<vmem_shared>> -> memref<128x64xf32, #tpu.memory_space<vmem_shared>>
      %dma_start3A_104 = arith.constant 0 : i32
      %dma_start3A_105 = tpu.memref_slice %arg10[%add3A_78, %dma_start3A_104] : memref<10240x64xf32, #tpu.memory_space<vmem_shared>> -> memref<128x64xf32, #tpu.memory_space<vmem_shared>>
      tpu.enqueue_dma source(%arg9 : memref<128x64xf32, #tpu.memory_space<vmem>>) target(%dma_start3A_105 : memref<128x64xf32, #tpu.memory_space<vmem_shared>>) target_semaphore(%run_scoped3A_101 : memref<!tpu.dma_semaphore, #tpu.memory_space<semaphore_mem>>)
      %dma_wait3A = arith.constant 0 : i32
      %dma_wait3A_106 = tpu.memref_slice %arg10[%add3A_78, %dma_wait3A] : memref<10240x64xf32, #tpu.memory_space<vmem_shared>> -> memref<128x64xf32, #tpu.memory_space<vmem_shared>>
      %dma_wait3A_107 = arith.constant 0 : i32
      %dma_wait3A_108 = tpu.memref_slice %arg10[%add3A_78, %dma_wait3A_107] : memref<10240x64xf32, #tpu.memory_space<vmem_shared>> -> memref<128x64xf32, #tpu.memory_space<vmem_shared>>
      tpu.wait_dma2 semaphore(%run_scoped3A_101 : memref<!tpu.dma_semaphore, #tpu.memory_space<semaphore_mem>>) src(%arg9 : memref<128x64xf32, #tpu.memory_space<vmem>>) dst(%dma_wait3A_108 : memref<128x64xf32, #tpu.memory_space<vmem_shared>>)
      tpu.yield
    }) : () -> ()
    %mul3A_79 = arith.constant 640 : i32
    %mul3A_80 = arith.muli %arg1, %mul3A_79 : i32
    %add3A_81 = arith.constant 512 : i32
    %add3A_82 = arith.addi %mul3A_80, %add3A_81 : i32
    "tpu.region"() ({
      %run_scoped3A_101 = tpu.sem_alloc : memref<!tpu.dma_semaphore, #tpu.memory_space<semaphore_mem>>
      %dma_start3A_102 = arith.constant 0 : i32
      %dma_start3A_103 = tpu.memref_slice %arg10[%add3A_82, %dma_start3A_102] : memref<10240x64xf32, #tpu.memory_space<vmem_shared>> -> memref<128x64xf32, #tpu.memory_space<vmem_shared>>
      %dma_start3A_104 = arith.constant 0 : i32
      %dma_start3A_105 = tpu.memref_slice %arg10[%add3A_82, %dma_start3A_104] : memref<10240x64xf32, #tpu.memory_space<vmem_shared>> -> memref<128x64xf32, #tpu.memory_space<vmem_shared>>
      tpu.enqueue_dma source(%arg9 : memref<128x64xf32, #tpu.memory_space<vmem>>) target(%dma_start3A_105 : memref<128x64xf32, #tpu.memory_space<vmem_shared>>) target_semaphore(%run_scoped3A_101 : memref<!tpu.dma_semaphore, #tpu.memory_space<semaphore_mem>>)
      %dma_wait3A = arith.constant 0 : i32
      %dma_wait3A_106 = tpu.memref_slice %arg10[%add3A_82, %dma_wait3A] : memref<10240x64xf32, #tpu.memory_space<vmem_shared>> -> memref<128x64xf32, #tpu.memory_space<vmem_shared>>
      %dma_wait3A_107 = arith.constant 0 : i32
      %dma_wait3A_108 = tpu.memref_slice %arg10[%add3A_82, %dma_wait3A_107] : memref<10240x64xf32, #tpu.memory_space<vmem_shared>> -> memref<128x64xf32, #tpu.memory_space<vmem_shared>>
      tpu.wait_dma2 semaphore(%run_scoped3A_101 : memref<!tpu.dma_semaphore, #tpu.memory_space<semaphore_mem>>) src(%arg9 : memref<128x64xf32, #tpu.memory_space<vmem>>) dst(%dma_wait3A_108 : memref<128x64xf32, #tpu.memory_space<vmem_shared>>)
      tpu.yield
    }) : () -> ()
    %barrier3A_83 = arith.constant 0 : index
    tpu.barrier barrier_id(%barrier3A_83)
    %dma_start3A_84 = arith.constant 0 : i32
    %dma_start3A_85 = tpu.memref_slice %arg5[%dma_start3A_84] : memref<10000xi32, #tpu.memory_space<vmem>> -> memref<128xi32, #tpu.memory_space<vmem>>
    %dma_start3A_86 = arith.constant 0 : i32
    %dma_start3A_87 = arith.constant 0 : i32
    %dma_start3A_88 = tpu.memref_slice %arg2[%dma_start3A_86, %dma_start3A_87] : memref<20000x64xf32, #tpu.memory_space<hbm>> -> memref<20000x64xf32, #tpu.memory_space<hbm>>
    tpu.enqueue_indirect_dma source(%dma_start3A_88 : memref<20000x64xf32, #tpu.memory_space<hbm>>) target(%arg7 : memref<128x64xf32, #tpu.memory_space<vmem>>) offsets(%dma_start3A_85 : memref<128xi32, #tpu.memory_space<vmem>>) semaphore(%arg11 : memref<!tpu.dma_semaphore, #tpu.memory_space<semaphore_mem>>)
    %scan3A_89 = arith.constant 0 : i32
    %scan3A_90 = arith.constant 0 : i32
    %scan3A_91 = arith.constant 39 : i32
    %scan3A_92 = arith.addi %scan3A_90, %scan3A_91 : i32
    %scan3A_93 = arith.constant 1 : i32
    scf.for %scan3A_101 = %scan3A_90 to %scan3A_92 step %scan3A_93  : i32 {
      %mul3A_102 = arith.constant 2 : i32
      %mul3A_103 = arith.muli %mul3A_102, %scan3A_101 : i32
      %add3A_104 = arith.constant 1 : i32
      %add3A_105 = arith.addi %mul3A_103, %add3A_104 : i32
      %mul3A_106 = arith.constant 128 : i32
      %mul3A_107 = arith.muli %add3A_105, %mul3A_106 : i32
      %dma_start3A_108 = tpu.memref_slice %arg5[%mul3A_107] : memref<10000xi32, #tpu.memory_space<vmem>> -> memref<128xi32, #tpu.memory_space<vmem>>
      %dma_start3A_109 = arith.constant 0 : i32
      %dma_start3A_110 = arith.constant 0 : i32
      %dma_start3A_111 = tpu.memref_slice %arg2[%dma_start3A_109, %dma_start3A_110] : memref<20000x64xf32, #tpu.memory_space<hbm>> -> memref<20000x64xf32, #tpu.memory_space<hbm>>
      tpu.enqueue_indirect_dma source(%dma_start3A_111 : memref<20000x64xf32, #tpu.memory_space<hbm>>) target(%arg8 : memref<128x64xf32, #tpu.memory_space<vmem>>) offsets(%dma_start3A_108 : memref<128xi32, #tpu.memory_space<vmem>>) semaphore(%arg11 : memref<!tpu.dma_semaphore, #tpu.memory_space<semaphore_mem>>)
      %mul3A_112 = arith.constant 128 : i32
      %mul3A_113 = arith.muli %mul3A_103, %mul3A_112 : i32
      %dma_wait3A = tpu.memref_slice %arg5[%mul3A_113] : memref<10000xi32, #tpu.memory_space<vmem>> -> memref<128xi32, #tpu.memory_space<vmem>>
      %dma_wait3A_114 = arith.constant 0 : i32
      %dma_wait3A_115 = arith.constant 0 : i32
      %dma_wait3A_116 = tpu.memref_slice %arg2[%dma_wait3A_114, %dma_wait3A_115] : memref<20000x64xf32, #tpu.memory_space<hbm>> -> memref<20000x64xf32, #tpu.memory_space<hbm>>
      tpu.wait_indirect_dma semaphore(%arg11 : memref<!tpu.dma_semaphore, #tpu.memory_space<semaphore_mem>>) src(%dma_wait3A_116 : memref<20000x64xf32, #tpu.memory_space<hbm>>) dst(%arg7 : memref<128x64xf32, #tpu.memory_space<vmem>>)
      %mul3A_117 = arith.constant 128 : i32
      %mul3A_118 = arith.muli %mul3A_103, %mul3A_117 : i32
      "tpu.region"() ({
        %run_scoped3A_131 = tpu.sem_alloc : memref<!tpu.dma_semaphore, #tpu.memory_space<semaphore_mem>>
        %dma_start3A_132 = tpu.memref_slice %arg6[%mul3A_118] : memref<10000xi32, #tpu.memory_space<vmem>> -> memref<128xi32, #tpu.memory_space<vmem>>
        %dma_start3A_133 = arith.constant 0 : i32
        %dma_start3A_134 = arith.constant 0 : i32
        %dma_start3A_135 = tpu.memref_slice %arg10[%dma_start3A_133, %dma_start3A_134] : memref<10240x64xf32, #tpu.memory_space<vmem_shared>> -> memref<10240x64xf32, #tpu.memory_space<vmem_shared>>
        tpu.enqueue_indirect_dma source(%arg7 : memref<128x64xf32, #tpu.memory_space<vmem>>) target(%dma_start3A_135 : memref<10240x64xf32, #tpu.memory_space<vmem_shared>>) offsets(%dma_start3A_132 : memref<128xi32, #tpu.memory_space<vmem>>) semaphore(%run_scoped3A_131 : memref<!tpu.dma_semaphore, #tpu.memory_space<semaphore_mem>>) {add = true}
        %dma_wait3A_136 = tpu.memref_slice %arg6[%mul3A_118] : memref<10000xi32, #tpu.memory_space<vmem>> -> memref<128xi32, #tpu.memory_space<vmem>>
        %dma_wait3A_137 = arith.constant 0 : i32
        %dma_wait3A_138 = arith.constant 0 : i32
        %dma_wait3A_139 = tpu.memref_slice %arg10[%dma_wait3A_137, %dma_wait3A_138] : memref<10240x64xf32, #tpu.memory_space<vmem_shared>> -> memref<10240x64xf32, #tpu.memory_space<vmem_shared>>
        tpu.wait_indirect_dma semaphore(%run_scoped3A_131 : memref<!tpu.dma_semaphore, #tpu.memory_space<semaphore_mem>>) src(%arg7 : memref<128x64xf32, #tpu.memory_space<vmem>>) dst(%dma_wait3A_139 : memref<10240x64xf32, #tpu.memory_space<vmem_shared>>)
        tpu.yield
      }) : () -> ()
      %add3A_119 = arith.constant 1 : i32
      %add3A_120 = arith.addi %add3A_105, %add3A_119 : i32
      %lt3A = arith.constant 78 : i32
      %lt3A_121 = arith.cmpi slt, %add3A_120, %lt3A : i32
      %convert_element_type3A = arith.extui %lt3A_121 : i1 to i32
      %cond3A = arith.constant 0 : i32
      %cond3A_122 = arith.cmpi ne, %convert_element_type3A, %cond3A : i32
      scf.if %cond3A_122 {
        %add3A_131 = arith.constant 1 : i32
        %add3A_132 = arith.addi %add3A_105, %add3A_131 : i32
        %mul3A_133 = arith.constant 128 : i32
        %mul3A_134 = arith.muli %add3A_132, %mul3A_133 : i32
        %dma_start3A_135 = tpu.memref_slice %arg5[%mul3A_134] : memref<10000xi32, #tpu.memory_space<vmem>> -> memref<128xi32, #tpu.memory_space<vmem>>
        %dma_start3A_136 = arith.constant 0 : i32
        %dma_start3A_137 = arith.constant 0 : i32
        %dma_start3A_138 = tpu.memref_slice %arg2[%dma_start3A_136, %dma_start3A_137] : memref<20000x64xf32, #tpu.memory_space<hbm>> -> memref<20000x64xf32, #tpu.memory_space<hbm>>
        tpu.enqueue_indirect_dma source(%dma_start3A_138 : memref<20000x64xf32, #tpu.memory_space<hbm>>) target(%arg7 : memref<128x64xf32, #tpu.memory_space<vmem>>) offsets(%dma_start3A_135 : memref<128xi32, #tpu.memory_space<vmem>>) semaphore(%arg11 : memref<!tpu.dma_semaphore, #tpu.memory_space<semaphore_mem>>)
      } else {
      }
      %mul3A_123 = arith.constant 128 : i32
      %mul3A_124 = arith.muli %add3A_105, %mul3A_123 : i32
      %dma_wait3A_125 = tpu.memref_slice %arg5[%mul3A_124] : memref<10000xi32, #tpu.memory_space<vmem>> -> memref<128xi32, #tpu.memory_space<vmem>>
      %dma_wait3A_126 = arith.constant 0 : i32
      %dma_wait3A_127 = arith.constant 0 : i32
      %dma_wait3A_128 = tpu.memref_slice %arg2[%dma_wait3A_126, %dma_wait3A_127] : memref<20000x64xf32, #tpu.memory_space<hbm>> -> memref<20000x64xf32, #tpu.memory_space<hbm>>
      tpu.wait_indirect_dma semaphore(%arg11 : memref<!tpu.dma_semaphore, #tpu.memory_space<semaphore_mem>>) src(%dma_wait3A_128 : memref<20000x64xf32, #tpu.memory_space<hbm>>) dst(%arg8 : memref<128x64xf32, #tpu.memory_space<vmem>>)
      %mul3A_129 = arith.constant 128 : i32
      %mul3A_130 = arith.muli %add3A_105, %mul3A_129 : i32
      "tpu.region"() ({
        %run_scoped3A_131 = tpu.sem_alloc : memref<!tpu.dma_semaphore, #tpu.memory_space<semaphore_mem>>
        %dma_start3A_132 = tpu.memref_slice %arg6[%mul3A_130] : memref<10000xi32, #tpu.memory_space<vmem>> -> memref<128xi32, #tpu.memory_space<vmem>>
        %dma_start3A_133 = arith.constant 0 : i32
        %dma_start3A_134 = arith.constant 0 : i32
        %dma_start3A_135 = tpu.memref_slice %arg10[%dma_start3A_133, %dma_start3A_134] : memref<10240x64xf32, #tpu.memory_space<vmem_shared>> -> memref<10240x64xf32, #tpu.memory_space<vmem_shared>>
        tpu.enqueue_indirect_dma source(%arg8 : memref<128x64xf32, #tpu.memory_space<vmem>>) target(%dma_start3A_135 : memref<10240x64xf32, #tpu.memory_space<vmem_shared>>) offsets(%dma_start3A_132 : memref<128xi32, #tpu.memory_space<vmem>>) semaphore(%run_scoped3A_131 : memref<!tpu.dma_semaphore, #tpu.memory_space<semaphore_mem>>) {add = true}
        %dma_wait3A_136 = tpu.memref_slice %arg6[%mul3A_130] : memref<10000xi32, #tpu.memory_space<vmem>> -> memref<128xi32, #tpu.memory_space<vmem>>
        %dma_wait3A_137 = arith.constant 0 : i32
        %dma_wait3A_138 = arith.constant 0 : i32
        %dma_wait3A_139 = tpu.memref_slice %arg10[%dma_wait3A_137, %dma_wait3A_138] : memref<10240x64xf32, #tpu.memory_space<vmem_shared>> -> memref<10240x64xf32, #tpu.memory_space<vmem_shared>>
        tpu.wait_indirect_dma semaphore(%run_scoped3A_131 : memref<!tpu.dma_semaphore, #tpu.memory_space<semaphore_mem>>) src(%arg8 : memref<128x64xf32, #tpu.memory_space<vmem>>) dst(%dma_wait3A_139 : memref<10240x64xf32, #tpu.memory_space<vmem_shared>>)
        tpu.yield
      }) : () -> ()
    }
    %scan3A_94 = arith.constant 39 : i32
    "tpu.region"() ({
      %run_scoped3A_101 = tpu.sem_alloc : memref<!tpu.dma_semaphore, #tpu.memory_space<semaphore_mem>>
      %dma_start3A_102 = arith.constant 0 : i32
      %dma_start3A_103 = arith.constant 0 : i32
      %dma_start3A_104 = tpu.memref_slice %arg7[%dma_start3A_102, %dma_start3A_103] : memref<128x64xf32, #tpu.memory_space<vmem>> -> memref<16x64xf32, #tpu.memory_space<vmem>>
      %dma_start3A_105 = arith.constant 9984 : i32
      %dma_start3A_106 = tpu.memref_slice %arg5[%dma_start3A_105] : memref<10000xi32, #tpu.memory_space<vmem>> -> memref<16xi32, #tpu.memory_space<vmem>>
      %dma_start3A_107 = arith.constant 0 : i32
      %dma_start3A_108 = arith.constant 0 : i32
      %dma_start3A_109 = tpu.memref_slice %arg2[%dma_start3A_107, %dma_start3A_108] : memref<20000x64xf32, #tpu.memory_space<hbm>> -> memref<20000x64xf32, #tpu.memory_space<hbm>>
      tpu.enqueue_indirect_dma source(%dma_start3A_109 : memref<20000x64xf32, #tpu.memory_space<hbm>>) target(%dma_start3A_104 : memref<16x64xf32, #tpu.memory_space<vmem>>) offsets(%dma_start3A_106 : memref<16xi32, #tpu.memory_space<vmem>>) semaphore(%run_scoped3A_101 : memref<!tpu.dma_semaphore, #tpu.memory_space<semaphore_mem>>)
      %dma_wait3A = arith.constant 0 : i32
      %dma_wait3A_110 = arith.constant 0 : i32
      %dma_wait3A_111 = tpu.memref_slice %arg7[%dma_wait3A, %dma_wait3A_110] : memref<128x64xf32, #tpu.memory_space<vmem>> -> memref<16x64xf32, #tpu.memory_space<vmem>>
      %dma_wait3A_112 = arith.constant 9984 : i32
      %dma_wait3A_113 = tpu.memref_slice %arg5[%dma_wait3A_112] : memref<10000xi32, #tpu.memory_space<vmem>> -> memref<16xi32, #tpu.memory_space<vmem>>
      %dma_wait3A_114 = arith.constant 0 : i32
      %dma_wait3A_115 = arith.constant 0 : i32
      %dma_wait3A_116 = tpu.memref_slice %arg2[%dma_wait3A_114, %dma_wait3A_115] : memref<20000x64xf32, #tpu.memory_space<hbm>> -> memref<20000x64xf32, #tpu.memory_space<hbm>>
      tpu.wait_indirect_dma semaphore(%run_scoped3A_101 : memref<!tpu.dma_semaphore, #tpu.memory_space<semaphore_mem>>) src(%dma_wait3A_116 : memref<20000x64xf32, #tpu.memory_space<hbm>>) dst(%dma_wait3A_111 : memref<16x64xf32, #tpu.memory_space<vmem>>)
      tpu.yield
    }) : () -> ()
    "tpu.region"() ({
      %run_scoped3A_101 = tpu.sem_alloc : memref<!tpu.dma_semaphore, #tpu.memory_space<semaphore_mem>>
      %dma_start3A_102 = arith.constant 0 : i32
      %dma_start3A_103 = arith.constant 0 : i32
      %dma_start3A_104 = tpu.memref_slice %arg7[%dma_start3A_102, %dma_start3A_103] : memref<128x64xf32, #tpu.memory_space<vmem>> -> memref<16x64xf32, #tpu.memory_space<vmem>>
      %dma_start3A_105 = arith.constant 9984 : i32
      %dma_start3A_106 = tpu.memref_slice %arg6[%dma_start3A_105] : memref<10000xi32, #tpu.memory_space<vmem>> -> memref<16xi32, #tpu.memory_space<vmem>>
      %dma_start3A_107 = arith.constant 0 : i32
      %dma_start3A_108 = arith.constant 0 : i32
      %dma_start3A_109 = tpu.memref_slice %arg10[%dma_start3A_107, %dma_start3A_108] : memref<10240x64xf32, #tpu.memory_space<vmem_shared>> -> memref<10240x64xf32, #tpu.memory_space<vmem_shared>>
      tpu.enqueue_indirect_dma source(%dma_start3A_104 : memref<16x64xf32, #tpu.memory_space<vmem>>) target(%dma_start3A_109 : memref<10240x64xf32, #tpu.memory_space<vmem_shared>>) offsets(%dma_start3A_106 : memref<16xi32, #tpu.memory_space<vmem>>) semaphore(%run_scoped3A_101 : memref<!tpu.dma_semaphore, #tpu.memory_space<semaphore_mem>>) {add = true}
      %dma_wait3A = arith.constant 0 : i32
      %dma_wait3A_110 = arith.constant 0 : i32
      %dma_wait3A_111 = tpu.memref_slice %arg7[%dma_wait3A, %dma_wait3A_110] : memref<128x64xf32, #tpu.memory_space<vmem>> -> memref<16x64xf32, #tpu.memory_space<vmem>>
      %dma_wait3A_112 = arith.constant 9984 : i32
      %dma_wait3A_113 = tpu.memref_slice %arg6[%dma_wait3A_112] : memref<10000xi32, #tpu.memory_space<vmem>> -> memref<16xi32, #tpu.memory_space<vmem>>
      %dma_wait3A_114 = arith.constant 0 : i32
      %dma_wait3A_115 = arith.constant 0 : i32
      %dma_wait3A_116 = tpu.memref_slice %arg10[%dma_wait3A_114, %dma_wait3A_115] : memref<10240x64xf32, #tpu.memory_space<vmem_shared>> -> memref<10240x64xf32, #tpu.memory_space<vmem_shared>>
      tpu.wait_indirect_dma semaphore(%run_scoped3A_101 : memref<!tpu.dma_semaphore, #tpu.memory_space<semaphore_mem>>) src(%dma_wait3A_111 : memref<16x64xf32, #tpu.memory_space<vmem>>) dst(%dma_wait3A_116 : memref<10240x64xf32, #tpu.memory_space<vmem_shared>>)
      tpu.yield
    }) : () -> ()
    %barrier3A_95 = arith.constant 0 : index
    tpu.barrier barrier_id(%barrier3A_95)
    %mul3A_96 = arith.constant 640 : i32
    %mul3A_97 = arith.muli %arg1, %mul3A_96 : i32
    %mul3A_98 = arith.constant 640 : i32
    %mul3A_99 = arith.muli %arg1, %mul3A_98 : i32
    "tpu.region"() ({
      %run_scoped3A_101 = tpu.sem_alloc : memref<!tpu.dma_semaphore, #tpu.memory_space<semaphore_mem>>
      %dma_start3A_102 = arith.constant 64 : i32
      %dma_start3A_103 = tpu.memref_slice %arg4[%arg0, %mul3A_99, %dma_start3A_102] : memref<2x10240x128xf32, #tpu.memory_space<hbm>> -> memref<1x640x64xf32, #tpu.memory_space<hbm>>
      %dma_start3A_104 = tpu.memref_squeeze %dma_start3A_103 : memref<1x640x64xf32, #tpu.memory_space<hbm>> -> memref<640x64xf32, #tpu.memory_space<hbm>>
      %dma_start3A_105 = arith.constant 0 : i32
      %dma_start3A_106 = tpu.memref_slice %arg10[%mul3A_97, %dma_start3A_105] : memref<10240x64xf32, #tpu.memory_space<vmem_shared>> -> memref<640x64xf32, #tpu.memory_space<vmem_shared>>
      tpu.enqueue_dma source(%dma_start3A_106 : memref<640x64xf32, #tpu.memory_space<vmem_shared>>) target(%dma_start3A_104 : memref<640x64xf32, #tpu.memory_space<hbm>>) target_semaphore(%run_scoped3A_101 : memref<!tpu.dma_semaphore, #tpu.memory_space<semaphore_mem>>)
      %dma_wait3A = arith.constant 64 : i32
      %dma_wait3A_107 = tpu.memref_slice %arg4[%arg0, %mul3A_99, %dma_wait3A] : memref<2x10240x128xf32, #tpu.memory_space<hbm>> -> memref<1x640x64xf32, #tpu.memory_space<hbm>>
      %dma_wait3A_108 = tpu.memref_squeeze %dma_wait3A_107 : memref<1x640x64xf32, #tpu.memory_space<hbm>> -> memref<640x64xf32, #tpu.memory_space<hbm>>
      %dma_wait3A_109 = arith.constant 0 : i32
      %dma_wait3A_110 = tpu.memref_slice %arg10[%mul3A_97, %dma_wait3A_109] : memref<10240x64xf32, #tpu.memory_space<vmem_shared>> -> memref<640x64xf32, #tpu.memory_space<vmem_shared>>
      tpu.wait_dma2 semaphore(%run_scoped3A_101 : memref<!tpu.dma_semaphore, #tpu.memory_space<semaphore_mem>>) src(%dma_wait3A_110 : memref<640x64xf32, #tpu.memory_space<vmem_shared>>) dst(%dma_wait3A_108 : memref<640x64xf32, #tpu.memory_space<hbm>>)
      tpu.yield
    }) : () -> ()
    %barrier3A_100 = arith.constant 0 : index
    tpu.barrier barrier_id(%barrier3A_100)
    return
  }
}

module attributes {stable_mosaic.version = 14 : i64} {
  func.func @_tc_prescale_body(%arg0: memref<10000x128xf32, #tpu.memory_space<vmem>>, %arg1: memref<2x2x10240x16xf32, #tpu.memory_space<vmem>>, %arg2: memref<10000x128xf32, #tpu.memory_space<vmem>>) attributes {dimension_semantics = [], scalar_prefetch = 0 : i64, scratch_operands = 0 : i64, tpu.core_type = #tpu.core_type<tc>} {
    %get3A = arith.constant 0 : index
    %get3A_0 = arith.constant 1 : index
    %get3A_1 = arith.constant 0 : index
    %get3A_2 = arith.constant 0 : index
    %get3A_3 = vector.load %arg1[%get3A, %get3A_0, %get3A_1, %get3A_2] : memref<2x2x10240x16xf32, #tpu.memory_space<vmem>>, vector<1x1x10000x1xf32>
    %get3A_4 = vector.shape_cast %get3A_3 : vector<1x1x10000x1xf32> to vector<10000x1xf32>
    %get3A_5 = arith.constant 1 : index
    %get3A_6 = arith.constant 1 : index
    %get3A_7 = arith.constant 0 : index
    %get3A_8 = arith.constant 0 : index
    %get3A_9 = vector.load %arg1[%get3A_5, %get3A_6, %get3A_7, %get3A_8] : memref<2x2x10240x16xf32, #tpu.memory_space<vmem>>, vector<1x1x10000x1xf32>
    %get3A_10 = vector.shape_cast %get3A_9 : vector<1x1x10000x1xf32> to vector<10000x1xf32>
    %add3A = arith.addf %get3A_4, %get3A_10 : vector<10000x1xf32>
    %max3A = arith.constant 1.000000e+00 : f32
    %max3A_11 = vector.broadcast %max3A : f32 to vector<10000x1xf32>
    %max3A_12 = arith.maximumf %add3A, %max3A_11 : vector<10000x1xf32>
    %rsqrt3A = math.rsqrt %max3A_12 : vector<10000x1xf32>
    %get3A_13 = arith.constant 0 : index
    %get3A_14 = arith.constant 0 : index
    %get3A_15 = vector.load %arg0[%get3A_13, %get3A_14] : memref<10000x128xf32, #tpu.memory_space<vmem>>, vector<10000x128xf32>
    %mul3A = vector.broadcast %rsqrt3A : vector<10000x1xf32> to vector<10000x128xf32>
    %mul3A_16 = arith.mulf %get3A_15, %mul3A : vector<10000x128xf32>
    %swap3A = arith.constant 0 : index
    %swap3A_17 = arith.constant 0 : index
    %swap3A_18 = vector.load %arg2[%swap3A, %swap3A_17] : memref<10000x128xf32, #tpu.memory_space<vmem>>, vector<10000x128xf32>
    tpu.vector_store %arg2[%swap3A, %swap3A_17], %mul3A_16 {strides = array<i32>} : memref<10000x128xf32, #tpu.memory_space<vmem>>, vector<10000x128xf32>,
    return
  }
}

module attributes {stable_mosaic.version = 14 : i64} {
  func.func @_tc_dense_body(%arg0: i32, %arg1: i32, %arg2: memref<2x1000x128xf32, #tpu.memory_space<vmem>>, %arg3: memref<2x2x1000x16xf32, #tpu.memory_space<vmem>>, %arg4: memref<1000x128xf32, #tpu.memory_space<vmem>>, %arg5: memref<128x128xf32, #tpu.memory_space<vmem>>, %arg6: memref<1x128xf32, #tpu.memory_space<vmem>>, %arg7: memref<1x128xf32, #tpu.memory_space<vmem>>, %arg8: memref<128x256xf32, #tpu.memory_space<vmem>>, %arg9: memref<1x256xf32, #tpu.memory_space<vmem>>, %arg10: memref<1000x128xf32, #tpu.memory_space<vmem>>, %arg11: memref<10000x128xf32, #tpu.memory_space<vmem>>, %arg12: memref<8x128xf32, #tpu.memory_space<vmem>>) attributes {dimension_semantics = [#tpu.dimension_semantics<arbitrary>, #tpu.dimension_semantics<arbitrary>], iteration_bounds = array<i64: 2, 10>, scalar_prefetch = 0 : i64, scratch_operands = 2 : i64, tpu.core_type = #tpu.core_type<tc>, window_params = [{transform_indices = @transform_0, window_bounds = array<i64: 2, 1000, 128>}, {transform_indices = @transform_1, window_bounds = array<i64: 2, 2, 1000, 16>}, {transform_indices = @transform_2, window_bounds = array<i64: 1000, 128>}, {pipeline_mode = #tpu.pipeline_mode<synchronous>, transform_indices = @transform_3, window_bounds = array<i64: 128, 128>}, {pipeline_mode = #tpu.pipeline_mode<synchronous>, transform_indices = @transform_4, window_bounds = array<i64: 1, 128>}, {pipeline_mode = #tpu.pipeline_mode<synchronous>, transform_indices = @transform_5, window_bounds = array<i64: 1, 128>}, {pipeline_mode = #tpu.pipeline_mode<synchronous>, transform_indices = @transform_6, window_bounds = array<i64: 128, 256>}, {pipeline_mode = #tpu.pipeline_mode<synchronous>, transform_indices = @transform_7, window_bounds = array<i64: 1, 256>}, {transform_indices = @transform_8, window_bounds = array<i64: 1000, 128>}]} {
    %eq3A = arith.constant 0 : i32
    %eq3A_0 = arith.cmpi eq, %arg0, %eq3A : i32
    %convert_element_type3A = arith.extui %eq3A_0 : i1 to i32
    %cond3A = arith.constant 0 : i32
    %cond3A_1 = arith.cmpi ne, %convert_element_type3A, %cond3A : i32
    scf.if %cond3A_1 {
      %eq3A_7 = arith.constant 0 : i32
      %eq3A_8 = arith.cmpi eq, %arg1, %eq3A_7 : i32
      %convert_element_type3A_9 = arith.extui %eq3A_8 : i1 to i32
      %cond3A_10 = arith.constant 0 : i32
      %cond3A_11 = arith.cmpi ne, %convert_element_type3A_9, %cond3A_10 : i32
      scf.if %cond3A_11 {
        %broadcast_in_dim3A_64 = arith.constant 0.000000e+00 : f32
        %broadcast_in_dim3A_65 = vector.broadcast %broadcast_in_dim3A_64 : f32 to vector<8x128xf32>
        %swap3A_66 = arith.constant 0 : index
        %swap3A_67 = arith.constant 0 : index
        %swap3A_68 = vector.load %arg12[%swap3A_66, %swap3A_67] : memref<8x128xf32, #tpu.memory_space<vmem>>, vector<8x128xf32>
        tpu.vector_store %arg12[%swap3A_66, %swap3A_67], %broadcast_in_dim3A_65 {strides = array<i32>} : memref<8x128xf32, #tpu.memory_space<vmem>>, vector<8x128xf32>,
      } else {
      }
      %get3A = arith.constant 0 : index
      %get3A_12 = arith.constant 0 : index
      %get3A_13 = arith.constant 0 : index
      %get3A_14 = arith.constant 0 : index
      %get3A_15 = vector.load %arg3[%get3A, %get3A_12, %get3A_13, %get3A_14] : memref<2x2x1000x16xf32, #tpu.memory_space<vmem>>, vector<1x1x1000x1xf32>
      %get3A_16 = vector.shape_cast %get3A_15 : vector<1x1x1000x1xf32> to vector<1000x1xf32>
      %get3A_17 = arith.constant 1 : index
      %get3A_18 = arith.constant 0 : index
      %get3A_19 = arith.constant 0 : index
      %get3A_20 = arith.constant 0 : index
      %get3A_21 = vector.load %arg3[%get3A_17, %get3A_18, %get3A_19, %get3A_20] : memref<2x2x1000x16xf32, #tpu.memory_space<vmem>>, vector<1x1x1000x1xf32>
      %get3A_22 = vector.shape_cast %get3A_21 : vector<1x1x1000x1xf32> to vector<1000x1xf32>
      %add3A = arith.addf %get3A_16, %get3A_22 : vector<1000x1xf32>
      %max3A = arith.constant 1.000000e+00 : f32
      %max3A_23 = vector.broadcast %max3A : f32 to vector<1000x1xf32>
      %max3A_24 = arith.maximumf %add3A, %max3A_23 : vector<1000x1xf32>
      %rsqrt3A = math.rsqrt %max3A_24 : vector<1000x1xf32>
      %get3A_25 = arith.constant 0 : index
      %get3A_26 = arith.constant 0 : index
      %get3A_27 = arith.constant 0 : index
      %get3A_28 = vector.load %arg2[%get3A_25, %get3A_26, %get3A_27] : memref<2x1000x128xf32, #tpu.memory_space<vmem>>, vector<1x1000x128xf32>
      %get3A_29 = vector.shape_cast %get3A_28 : vector<1x1000x128xf32> to vector<1000x128xf32>
      %get3A_30 = arith.constant 1 : index
      %get3A_31 = arith.constant 0 : index
      %get3A_32 = arith.constant 0 : index
      %get3A_33 = vector.load %arg2[%get3A_30, %get3A_31, %get3A_32] : memref<2x1000x128xf32, #tpu.memory_space<vmem>>, vector<1x1000x128xf32>
      %get3A_34 = vector.shape_cast %get3A_33 : vector<1x1000x128xf32> to vector<1000x128xf32>
      %add3A_35 = arith.addf %get3A_29, %get3A_34 : vector<1000x128xf32>
      %mul3A = vector.broadcast %rsqrt3A : vector<1000x1xf32> to vector<1000x128xf32>
      %mul3A_36 = arith.mulf %add3A_35, %mul3A : vector<1000x128xf32>
      %get3A_37 = arith.constant 0 : index
      %get3A_38 = arith.constant 0 : index
      %get3A_39 = vector.load %arg5[%get3A_37, %get3A_38] : memref<128x128xf32, #tpu.memory_space<vmem>>, vector<128x128xf32>
      %dot_general3A = arith.constant dense<0.000000e+00> : vector<1000x128xf32>
      %dot_general3A_40 = tpu.matmul %mul3A_36, %get3A_39, %dot_general3A {dimension_numbers = #tpu.dot_dimension_numbers<[1], [0], [0], [1], [0, 0, 1, 1], [], []>, transpose_lhs_hint = false} : vector<1000x128xf32>, vector<128x128xf32>, vector<1000x128xf32> -> vector<1000x128xf32>
      %mul3A_41 = arith.constant 1000 : i32
      %mul3A_42 = arith.muli %arg1, %mul3A_41 : i32
      %swap3A = arith.index_cast %mul3A_42 : i32 to index
      %swap3A_43 = arith.constant 0 : index
      %swap3A_44 = vector.load %arg11[%swap3A, %swap3A_43] : memref<10000x128xf32, #tpu.memory_space<vmem>>, vector<1000x128xf32>
      tpu.vector_store %arg11[%swap3A, %swap3A_43], %dot_general3A_40 {strides = array<i32>} : memref<10000x128xf32, #tpu.memory_space<vmem>>, vector<1000x128xf32>,
      %get3A_45 = arith.constant 0 : index
      %get3A_46 = arith.constant 0 : index
      %get3A_47 = vector.load %arg12[%get3A_45, %get3A_46] : memref<8x128xf32, #tpu.memory_space<vmem>>, vector<1x128xf32>
      %reduce_sum3A = arith.constant dense<0.000000e+00> : vector<128xf32>
      %reduce_sum3A_48 = vector.multi_reduction <add>, %dot_general3A_40, %reduce_sum3A [0] : vector<1000x128xf32> to vector<128xf32>
      %broadcast_in_dim3A = vector.shape_cast %reduce_sum3A_48 : vector<128xf32> to vector<1x128xf32>
      %add3A_49 = arith.addf %get3A_47, %broadcast_in_dim3A : vector<1x128xf32>
      %swap3A_50 = arith.constant 0 : index
      %swap3A_51 = arith.constant 0 : index
      %swap3A_52 = vector.load %arg12[%swap3A_50, %swap3A_51] : memref<8x128xf32, #tpu.memory_space<vmem>>, vector<1x128xf32>
      tpu.vector_store %arg12[%swap3A_50, %swap3A_51], %add3A_49 {strides = array<i32>} : memref<8x128xf32, #tpu.memory_space<vmem>>, vector<1x128xf32>,
      %get3A_53 = arith.constant 1 : index
      %get3A_54 = arith.constant 0 : index
      %get3A_55 = vector.load %arg12[%get3A_53, %get3A_54] : memref<8x128xf32, #tpu.memory_space<vmem>>, vector<1x128xf32>
      %mul3A_56 = arith.mulf %dot_general3A_40, %dot_general3A_40 : vector<1000x128xf32>
      %reduce_sum3A_57 = arith.constant dense<0.000000e+00> : vector<128xf32>
      %reduce_sum3A_58 = vector.multi_reduction <add>, %mul3A_56, %reduce_sum3A_57 [0] : vector<1000x128xf32> to vector<128xf32>
      %broadcast_in_dim3A_59 = vector.shape_cast %reduce_sum3A_58 : vector<128xf32> to vector<1x128xf32>
      %add3A_60 = arith.addf %get3A_55, %broadcast_in_dim3A_59 : vector<1x128xf32>
      %swap3A_61 = arith.constant 1 : index
      %swap3A_62 = arith.constant 0 : index
      %swap3A_63 = vector.load %arg12[%swap3A_61, %swap3A_62] : memref<8x128xf32, #tpu.memory_space<vmem>>, vector<1x128xf32>
      tpu.vector_store %arg12[%swap3A_61, %swap3A_62], %add3A_60 {strides = array<i32>} : memref<8x128xf32, #tpu.memory_space<vmem>>, vector<1x128xf32>,
    } else {
    }
    %eq3A_2 = arith.constant 1 : i32
    %eq3A_3 = arith.cmpi eq, %arg0, %eq3A_2 : i32
    %convert_element_type3A_4 = arith.extui %eq3A_3 : i1 to i32
    %cond3A_5 = arith.constant 0 : i32
    %cond3A_6 = arith.cmpi ne, %convert_element_type3A_4, %cond3A_5 : i32
    scf.if %cond3A_6 {
      %mul3A = arith.constant 1000 : i32
      %mul3A_7 = arith.muli %arg1, %mul3A : i32
      %get3A = arith.index_cast %mul3A_7 : i32 to index
      %get3A_8 = arith.constant 0 : index
      %get3A_9 = vector.load %arg11[%get3A, %get3A_8] : memref<10000x128xf32, #tpu.memory_space<vmem>>, vector<1000x128xf32>
      %get3A_10 = arith.constant 0 : index
      %get3A_11 = arith.constant 0 : index
      %get3A_12 = vector.load %arg12[%get3A_10, %get3A_11] : memref<8x128xf32, #tpu.memory_space<vmem>>, vector<1x128xf32>
      %mul3A_13 = arith.constant 9.99999974E-5 : f32
      %mul3A_14 = vector.broadcast %mul3A_13 : f32 to vector<1x128xf32>
      %mul3A_15 = arith.mulf %get3A_12, %mul3A_14 : vector<1x128xf32>
      %get3A_16 = arith.constant 1 : index
      %get3A_17 = arith.constant 0 : index
      %get3A_18 = vector.load %arg12[%get3A_16, %get3A_17] : memref<8x128xf32, #tpu.memory_space<vmem>>, vector<1x128xf32>
      %mul3A_19 = arith.constant 9.99999974E-5 : f32
      %mul3A_20 = vector.broadcast %mul3A_19 : f32 to vector<1x128xf32>
      %mul3A_21 = arith.mulf %get3A_18, %mul3A_20 : vector<1x128xf32>
      %mul3A_22 = arith.mulf %mul3A_15, %mul3A_15 : vector<1x128xf32>
      %sub3A = arith.subf %mul3A_21, %mul3A_22 : vector<1x128xf32>
      %get3A_23 = arith.constant 0 : index
      %get3A_24 = arith.constant 0 : index
      %get3A_25 = vector.load %arg6[%get3A_23, %get3A_24] : memref<1x128xf32, #tpu.memory_space<vmem>>, vector<1x128xf32>
      %sub3A_26 = vector.broadcast %mul3A_15 : vector<1x128xf32> to vector<1000x128xf32>
      %sub3A_27 = arith.subf %get3A_9, %sub3A_26 : vector<1000x128xf32>
      %mul3A_28 = vector.broadcast %get3A_25 : vector<1x128xf32> to vector<1000x128xf32>
      %mul3A_29 = arith.mulf %mul3A_28, %sub3A_27 : vector<1000x128xf32>
      %add3A = arith.constant 9.99999974E-5 : f32
      %add3A_30 = vector.broadcast %add3A : f32 to vector<1x128xf32>
      %add3A_31 = arith.addf %sub3A, %add3A_30 : vector<1x128xf32>
      %rsqrt3A = math.rsqrt %add3A_31 : vector<1x128xf32>
      %mul3A_32 = vector.broadcast %rsqrt3A : vector<1x128xf32> to vector<1000x128xf32>
      %mul3A_33 = arith.mulf %mul3A_29, %mul3A_32 : vector<1000x128xf32>
      %get3A_34 = arith.constant 0 : index
      %get3A_35 = arith.constant 0 : index
      %get3A_36 = vector.load %arg7[%get3A_34, %get3A_35] : memref<1x128xf32, #tpu.memory_space<vmem>>, vector<1x128xf32>
      %add3A_37 = vector.broadcast %get3A_36 : vector<1x128xf32> to vector<1000x128xf32>
      %add3A_38 = arith.addf %mul3A_33, %add3A_37 : vector<1000x128xf32>
      %get3A_39 = arith.constant 0 : index
      %get3A_40 = arith.constant 0 : index
      %get3A_41 = vector.load %arg8[%get3A_39, %get3A_40] : memref<128x256xf32, #tpu.memory_space<vmem>>, vector<128x256xf32>
      %dot_general3A = arith.constant dense<0.000000e+00> : vector<1000x256xf32>
      %dot_general3A_42 = tpu.matmul %add3A_38, %get3A_41, %dot_general3A {dimension_numbers = #tpu.dot_dimension_numbers<[1], [0], [0], [1], [0, 0, 1, 1], [], []>, transpose_lhs_hint = false} : vector<1000x128xf32>, vector<128x256xf32>, vector<1000x256xf32> -> vector<1000x256xf32>
      %get3A_43 = arith.constant 0 : index
      %get3A_44 = arith.constant 0 : index
      %get3A_45 = vector.load %arg9[%get3A_43, %get3A_44] : memref<1x256xf32, #tpu.memory_space<vmem>>, vector<1x256xf32>
      %add3A_46 = vector.broadcast %get3A_45 : vector<1x256xf32> to vector<1000x256xf32>
      %add3A_47 = arith.addf %dot_general3A_42, %add3A_46 : vector<1000x256xf32>
      %slice3A = vector.extract_strided_slice %add3A_47 {offsets = [0, 0], sizes = [1000, 128], strides = [1, 1]} : vector<1000x256xf32> to vector<1000x128xf32>
      %mul3A_48 = arith.mulf %slice3A, %add3A_38 : vector<1000x128xf32>
      %slice3A_49 = vector.extract_strided_slice %add3A_47 {offsets = [0, 128], sizes = [1000, 128], strides = [1, 1]} : vector<1000x256xf32> to vector<1000x128xf32>
      %add3A_50 = arith.addf %mul3A_48, %slice3A_49 : vector<1000x128xf32>
      %max3A = arith.constant 0.000000e+00 : f32
      %max3A_51 = vector.broadcast %max3A : f32 to vector<1000x128xf32>
      %max3A_52 = arith.maximumf %add3A_50, %max3A_51 : vector<1000x128xf32>
      %get3A_53 = arith.constant 0 : index
      %get3A_54 = arith.constant 0 : index
      %get3A_55 = vector.load %arg4[%get3A_53, %get3A_54] : memref<1000x128xf32, #tpu.memory_space<vmem>>, vector<1000x128xf32>
      %add3A_56 = arith.addf %max3A_52, %get3A_55 : vector<1000x128xf32>
      %swap3A = arith.constant 0 : index
      %swap3A_57 = arith.constant 0 : index
      %swap3A_58 = vector.load %arg10[%swap3A, %swap3A_57] : memref<1000x128xf32, #tpu.memory_space<vmem>>, vector<1000x128xf32>
      tpu.vector_store %arg10[%swap3A, %swap3A_57], %add3A_56 {strides = array<i32>} : memref<1000x128xf32, #tpu.memory_space<vmem>>, vector<1000x128xf32>,
    } else {
    }
    return
  }
  func.func @transform_0(%arg0: i32, %arg1: i32) -> (i32, i32, i32) {
    %sub3A = arith.constant 1 : i32
    %sub3A_0 = arith.subi %sub3A, %arg0 : i32
    %mul3A = arith.muli %arg1, %sub3A_0 : i32
    %c0_i32 = arith.constant 0 : i32
    %c0_i32_1 = arith.constant 0 : i32
    %c0_i32_2 = arith.constant 0 : i32
    return %c0_i32, %mul3A, %c0_i32_1 : i32, i32, i32
  }
  func.func @transform_1(%arg0: i32, %arg1: i32) -> (i32, i32, i32, i32) {
    %sub3A = arith.constant 1 : i32
    %sub3A_0 = arith.subi %sub3A, %arg0 : i32
    %mul3A = arith.muli %arg1, %sub3A_0 : i32
    %c0_i32 = arith.constant 0 : i32
    %c0_i32_1 = arith.constant 0 : i32
    %c0_i32_2 = arith.constant 0 : i32
    %c0_i32_3 = arith.constant 0 : i32
    return %c0_i32, %c0_i32_1, %mul3A, %c0_i32_2 : i32, i32, i32, i32
  }
  func.func @transform_2(%arg0: i32, %arg1: i32) -> (i32, i32) {
    %mul3A = arith.muli %arg1, %arg0 : i32
    %c0_i32 = arith.constant 0 : i32
    %c0_i32_0 = arith.constant 0 : i32
    return %mul3A, %c0_i32 : i32, i32
  }
  func.func @transform_3(%arg0: i32, %arg1: i32) -> (i32, i32) {
    %c0_i32 = arith.constant 0 : i32
    %c0_i32_0 = arith.constant 0 : i32
    %c0_i32_1 = arith.constant 0 : i32
    return %c0_i32, %c0_i32_0 : i32, i32
  }
  func.func @transform_4(%arg0: i32, %arg1: i32) -> (i32, i32) {
    %c0_i32 = arith.constant 0 : i32
    %c0_i32_0 = arith.constant 0 : i32
    %c0_i32_1 = arith.constant 0 : i32
    return %c0_i32, %c0_i32_0 : i32, i32
  }
  func.func @transform_5(%arg0: i32, %arg1: i32) -> (i32, i32) {
    %c0_i32 = arith.constant 0 : i32
    %c0_i32_0 = arith.constant 0 : i32
    %c0_i32_1 = arith.constant 0 : i32
    return %c0_i32, %c0_i32_0 : i32, i32
  }
  func.func @transform_6(%arg0: i32, %arg1: i32) -> (i32, i32) {
    %c0_i32 = arith.constant 0 : i32
    %c0_i32_0 = arith.constant 0 : i32
    %c0_i32_1 = arith.constant 0 : i32
    return %c0_i32, %c0_i32_0 : i32, i32
  }
  func.func @transform_7(%arg0: i32, %arg1: i32) -> (i32, i32) {
    %c0_i32 = arith.constant 0 : i32
    %c0_i32_0 = arith.constant 0 : i32
    %c0_i32_1 = arith.constant 0 : i32
    return %c0_i32, %c0_i32_0 : i32, i32
  }
  func.func @transform_8(%arg0: i32, %arg1: i32) -> (i32, i32) {
    %mul3A = arith.muli %arg1, %arg0 : i32
    %c0_i32 = arith.constant 0 : i32
    %c0_i32_0 = arith.constant 0 : i32
    return %mul3A, %c0_i32 : i32, i32
  }
}

</mosaic_0001>

<sc_bundles>
// kernel: kernel.6.cloned.1.call-start
scs
__scs_entry_jumppad:
0x0: {  	(pc) =	sbr.rel $0x88, $3  }
0x1: {  	(tag) =	ssettag $0x0;
	lr =	simm.s32 $0x1  }
0x2: {  	[smem:$0x3F9A] =	sst lr;
	_ =	strace $0xD0000000  }
0x3: {  	_ = 	snop  }
0x4: {  	_ = 	snop  }
0x5: {  	_ = 	snop  }
0x6: {  	_ = 	snop  }
0x7: {  	_ = 	snop  }
__scs_overlays_trampoline_lowered:
0x8: {  	[smem:$0x3FA9] =	sst s0  }
0x9: {  	[smem:$0x3FAA] =	sst s1  }
0xa: {  	[smem:$0x3FAB] =	sst s2  }
0xb: {  	[smem:$0x3FAC] =	sst s3  }
0xc: {  	[smem:$0x3FAD] =	sst s4  }
0xd: {  	[smem:$0x3FAE] =	sst s5  }
0xe: {  	[smem:$0x3FAF] =	sst s6  }
0xf: {  	[smem:$0x3FB0] =	sst s7  }
0x10: {  	[smem:$0x3FB1] =	sst s8  }
0x11: {  	[smem:$0x3FB2] =	sst s9;
	s0 =	simm.s32 @!p0 $0x0  }
0x12: {  	s1 =	sld [smem:$0x3F98];
	s0 =	simm.s32 @p0 $0x1  }
0x13: {  	[smem:$0x3FB3] =	sst s0;
	s0 =	simm.s32 @!p1 $0x0  }
0x14: {  	s2 =	sld [smem:$0x3F97];
	s0 =	simm.s32 @p1 $0x1  }
0x15: {  	[smem:$0x3FB4] =	sst s0;
	s0 =	simm.s32 @!p2 $0x0  }
0x16: {  	s3 =	sld [smem:$0x3FDB];
	s0 =	simm.s32 @p2 $0x1  }
0x17: {  	s4 =	simm.s32 $0x1BF5;
	[smem:$0x3FB6] =	sst s0  }
0x18: {  	s0 =	sld [smem:$0x3F99];
	_ =	swait.ge [sflag:s4], $0x0  }
0x19: {  	s7 =	sld [smem:$0x3F9A]  }
0x1a: {  	s8 =	sadd.s32 $0xFFFFE003, lr  }
0x1b: {  	s9 =	sadd.s32 $0xFFFFFEF7, lr;
	s5 =	simm.s32 $0xFFFFFFFF;
	p2 =	slt.u32 s8, $0xFFFFF086  }
0x1c: {  	p1 =	slt.u32 s9, $0xF7A;
	s5 =	simm.s32 @!p2 $0x0  }
0x1d: {  	s5 =	simm.s32 @p1 $0x1;
	p0 =	seq.s32 s7, s2  }
0x1e: {  	s7 =	smul.u32 @!p0 $0xF7A, s2;
	p2 =	seq.s32 @!p0 s5, $0x0  }
0x1f: {  	s9 =	smul.u32 $0xF7A, s1;
	s8 =	simm.s32 @!p0 $0x1BF5;
	p2 =	por !p2, p0  }
0x20: {  	[sflag:s8] =	ssyncset.s32 @!p0 $0xFFFFF086;
	s6 =	sadd.s32 @!p0 s3, s7;
	s7 =	simm.s32 @!p0 $0x108  }
0x21: {  	s3 =	sadd.s32 s3, s9;
	s6 =	sadd.s32 @!p0 $0x88, s6;
	s7 =	simm.s32 @p2 $0x1082  }
0x22: {  	[simem:s7], [sflag:s8] =	dma.local @!p0 [hbm:s6], $0xF7A  }
0x23: {  	s9 =	sor.u32 $0xD0000000, s2;
	s6 =	simm.s32 $0x108;
	_ =	swait.ge @!p0 [sflag:s8], $0x0  }
0x24: {  	s3 =	sadd.s32 $0x88, s3;
	s6 =	simm.s32 @!p1 $0x1082;
	[sflag:s4] =	ssyncset.s32 $0xFFFFF086  }
0x25: {  	[simem:s6], [sflag:s4] =	dma.local [hbm:s3], $0xF7A  }
0x26: {  	[smem:$0x3F9A] =	sst s1;
	(tag) =	ssettag s2;
	_ =	strace s9  }
0x27: {  	s1 =	sld [smem:$0x3FAA]  }
0x28: {  	s2 =	sld [smem:$0x3FAB]  }
0x29: {  	s4 =	sld [smem:$0x3FAD]  }
0x2a: {  	p0 =	seq.s32 s5, $0x0;
	s5 =	sld [smem:$0x3FAE]  }
0x2b: {  	s6 =	sld [smem:$0x3FAF]  }
0x2c: {  	s7 =	sld [smem:$0x3FB0]  }
0x2d: {  	s3 =	simm.s32 $0x108;
	s8 =	sld [smem:$0x3FB1]  }
0x2e: {  	s3 =	simm.s32 @!p0 $0x1082;
	s9 =	sld [smem:$0x3FB2]  }
0x2f: {  	lr =	sadd.s32 s0, s3;
	s0 =	sld [smem:$0x3FA9]  }
0x30: {  	s3 =	sld [smem:$0x3FAC]  }
0x31: {  	[smem:$0x3FB5] =	sst s10  }
0x32: {  	s10 =	sld [smem:$0x3FB3];
	_ =	sdelay $0x3  }
0x33: {  	p0 =	seq.s32 s10, $0x1;
	s10 =	sld [smem:$0x3FB5];
	_ =	sdelay $0x3  }
0x34: {  	[smem:$0x3FB5] =	sst s10  }
0x35: {  	s10 =	sld [smem:$0x3FB4];
	_ =	sdelay $0x3  }
0x36: {  	p1 =	seq.s32 s10, $0x1;
	s10 =	sld [smem:$0x3FB5];
	_ =	sdelay $0x3  }
0x37: {  	[smem:$0x3FB5] =	sst s10  }
0x38: {  	s10 =	sld [smem:$0x3FB6]  }
0x39: {  	_ = 	snop;
	(pc) =	sbr.ind lr, $3  }
0x3a: {  	_ = 	snop  }
0x3b: {  	_ = 	snop  }
0x3c: {  	p2 =	seq.s32 s10, $0x1;
	s10 =	sld [smem:$0x3FB5]  }
0x3d: {  	_ =	shalt  }
0x3e: {  	_ =	shalt  }
0x3f: {  	_ =	shalt  }
0x40: {  	_ =	shalt  }
0x41: {  	_ =	shalt  }
0x42: {  	_ =	shalt  }
0x43: {  	_ =	shalt  }
0x44: {  	_ =	shalt  }
0x45: {  	_ =	shalt  }
0x46: {  	_ =	shalt  }
0x47: {  	_ =	shalt  }
0x48: {  	_ =	shalt  }
0x49: {  	_ =	shalt  }
0x4a: {  	_ =	shalt  }
0x4b: {  	_ =	shalt  }
0x4c: {  	_ =	shalt  }
0x4d: {  	_ =	shalt  }
0x4e: {  	_ =	shalt  }
0x4f: {  	_ =	shalt  }
0x50: {  	_ =	shalt  }
0x51: {  	_ =	shalt  }
0x52: {  	_ =	shalt  }
0x53: {  	_ =	shalt  }
0x54: {  	_ =	shalt  }
0x55: {  	_ =	shalt  }
0x56: {  	_ =	shalt  }
0x57: {  	_ =	shalt  }
0x58: {  	_ =	shalt  }
0x59: {  	_ =	shalt  }
0x5a: {  	_ =	shalt  }
0x5b: {  	_ =	shalt  }
0x5c: {  	_ =	shalt  }
0x5d: {  	_ =	shalt  }
0x5e: {  	_ =	shalt  }
0x5f: {  	_ =	shalt  }
0x60: {  	_ =	shalt  }
0x61: {  	_ =	shalt  }
0x62: {  	_ =	shalt  }
0x63: {  	_ =	shalt  }
0x64: {  	_ =	shalt  }
0x65: {  	_ =	shalt  }
0x66: {  	_ =	shalt  }
0x67: {  	_ =	shalt  }
0x68: {  	_ =	shalt  }
0x69: {  	_ =	shalt  }
0x6a: {  	_ =	shalt  }
0x6b: {  	_ =	shalt  }
0x6c: {  	_ =	shalt  }
0x6d: {  	_ =	shalt  }
0x6e: {  	_ =	shalt  }
0x6f: {  	_ =	shalt  }
0x70: {  	_ =	shalt  }
0x71: {  	_ =	shalt  }
0x72: {  	_ =	shalt  }
0x73: {  	_ =	shalt  }
0x74: {  	_ =	shalt  }
0x75: {  	_ =	shalt  }
0x76: {  	_ =	shalt  }
0x77: {  	_ =	shalt  }
0x78: {  	_ =	shalt  }
0x79: {  	_ =	shalt  }
0x7a: {  	_ =	shalt  }
0x7b: {  	_ =	shalt  }
0x7c: {  	_ =	shalt  }
0x7d: {  	_ =	shalt  }
0x7e: {  	_ =	shalt  }
0x7f: {  	_ =	shalt  }
0x80: {  	_ =	shalt  }
0x81: {  	_ =	shalt  }
0x82: {  	_ =	shalt  }
0x83: {  	_ =	shalt  }
0x84: {  	_ =	shalt  }
0x85: {  	_ =	shalt  }
0x86: {  	_ =	shalt  }
0x87: {  	_ =	shalt  }
.Lfunc_end0:
.L_simem_size_0:
called_computation_lowered:
.L_overlay_start_0:
0x88: {  	s2 =	sld [smem:$0x3FD9]  }
0x89: {  	s3 =	sld [smem:$0x3FFE];
	_ =	sdelay $0x1  }
0x8a: {  	s1 =	srdreg.scid  }
0x8b: {  	s0 =	sand.u32 $0x1, s1  }
0x8c: {  	s17 =	sshll.u32 s0, $0xA;
	s2 =	sadd.s32 s3, s2  }
0x8d: {  	s2 =	sadd.s32 s2, s17  }
0x8e: {  	[smem:$0x3FC1] =	sst s2  }
0x8f: {  	_ = 	snop  }
0x90: {  	s2 =	sld [smem:$0x3FD0];
	(tm) =	ssettm $0x1  }
0x91: {  	s18 =	sld [smem:$0x3FFB];
	_ =	sdelay $0x3  }
0x92: {  	_ =	strace s18  }
0x93: {  	s3 =	sld [smem:$0x3FFC];
	_ =	sdelay $0x3  }
0x94: {  	_ =	strace s3  }
0x95: {  	s3 =	sld [smem:$0x3FFD];
	_ =	sdelay $0x3  }
0x96: {  	_ =	strace s3  }
0x97: {  	_ =	strace $0x8FFFFFFF  }
0x98: {  	s19 =	sld [smem:$0x3FDB];
	_ =	sdelay $0x1  }
0x99: {  	s4 =	simm.s32 $_scs_section_size  }
0x9a: {  	s5 =	simm.s32 $_size__tile_overlayer_lowered;
	s6 =	simm.s32 $_tile_overlayer_lowered  }
0x9b: {  	s22 =	simm.s32 $0x1BFF;
	s21 =	sshll.u32 s6, $0x1;
	s3 =	sadd.s32 s4, s19  }
0x9c: {  	s7 =	simm.s32 $0x0;
	s20 =	sshll.u32 s5, $0x1;
	s5 =	sadd.s32 s21, s3  }
0x9d: {  	[timem:s7], [sflag:s22] =	dma.local [hbm:s5], s20  }
0x9e: {  	_ =	swait.ge [sflag:s22], s20  }
0x9f: {  	s4 =	ssub.s32 $0x0, s20;
	[sflag:s22] =	ssyncset.done $0x0  }
0xa0: {  	[sflag:s22] =	ssyncadd.s32 s4;
	_ =	sdelay $0x1  }
0xa1: {  	s23 =	simm.s32 $0x1B8B  }
0xa2: {  	_ =	swait.ge [sflag:s23], $0x1  }
0xa3: {  	[sflag:s23] =	ssyncset.done $0x0  }
0xa4: {  	s25 =	simm.s32 $0x1B8E;
	s24 =	sld [smem:$0x3FFE];
	[sflag:s23] =	ssyncadd.s32 $0xFFFFFFFF  }
0xa5: {  	s26 =	simm.s32 $execute0_lowered;
	[smem:$0x3FD2] =	sst s25  }
0xa6: {  	s5 =	sshll.u32 s26, $0x1;
	_ =	strace $0x80000046;
	[dreg:$0x1] =	wrdreg $0xFFFFFFFF  }
0xa7: {  	s28 =	simm.s32 $_size_execute0_lowered;
	s3 =	sadd.s32 s3, s5;
	[dreg:$0x0] =	wrdreg $0x0  }
0xa8: {  	s5 =	sshll.u32 s28, $0x1;
	[dreg:$0x2] =	wrdreg s3  }
0xa9: {  	[dreg:$0x3] =	wrdreg s5  }
0xaa: {  	[dreg:$0x4] =	wrdreg $0xC0  }
0xab: {  	_ =	task [dreg:s7], $0x5FFFF  }
0xac: {  	[dreg:$0x1] =	wrdreg $0xFFFFFFFF  }
0xad: {  	[dreg:$0x0] =	wrdreg $0x60  }
0xae: {  	[dreg:$0x2] =	wrdreg s24  }
0xaf: {  	[dreg:$0x3] =	wrdreg s2  }
0xb0: {  	[dreg:$0x4] =	wrdreg $0x57100  }
0xb1: {  	[dreg:$0x5] =	wrdreg $0x7F100  }
0xb2: {  	[dreg:$0x6] =	wrdreg $0x9  }
0xb3: {  	_ =	task.clear_ibuf [dreg:s7], $0x7FFFF;
	_ =	strace $0x90000046  }
0xb4: {  	s29 =	simm.s32 $0x9;
	_ =	strace $0x80000048  }
0xb5: {  	_ =	swait.ge [sflag:s29], $0x1  }
0xb6: {  	[sflag:s29] =	ssyncadd.s32 $0xFFFFFFFF  }
0xb7: {  	_ =	strace $0x90000048  }
0xb8: {  	_ =	sfence  }
0xb9: {  	s30 =	sld [smem:$0x0];
	_ =	sdelay $0x2  }
0xba: {  	s31 =	sshll.u32 s1, $0xD;
	s1 =	sshrl.u32 s1, $0x2  }
0xbb: {  	s3 =	sand.u32 $0x4000, s31;
	s1 =	sadd.s32 s1, s30  }
0xbc: {  	s0 =	sor.u32 s3, s0;
	s1 =	sshll.u32 s1, $0x11  }
0xbd: {  	s0 =	sor.u32 s1, s0  }
0xbe: {  	s0 =	sadd.s32 $0x8F2B, s0  }
0xbf: {  	[sflag:s0] =	ssyncadd.remote.s32 $0x1  }
0xc0: {  	_ =	sfence.sel $0xFFFF  }
0xc1: {  	[dreg:$0x0] =	wrdreg $0xFFFFFFFF;
	(pc) =	sbr.abs _section_cstart, $3  }
0xc2: {  	[dreg:$0x1] =	wrdreg $0xFFFFFFFF  }
0xc3: {  	_ =	task.clear_ibuf [dreg:s7], $0x2FFFF;
	_ =	strace $0x9FFFFFFF  }
0xc4: {  	(tm) =	ssettm $0x7FFFFFFF  }
0xc5: {  	_ =	shalt  }
tec
execute0_lowered:
.L_overlay_start_1:
0x0: {  	(tag) =	ssettag $0x1  }
0x1: {  	s5 =	rddreg [dreg:$0x0]  }
0x2: {  	s9 =	rddreg [dreg:$0x1]  }
0x3: {  	s0 =	srdreg.scid;
	s2 =	rddreg [dreg:$0x2]  }
0x4: {  	s3 =	rddreg [dreg:$0x3];
	s4 =	simm.s32 $0x0;
	s13 =	simm.s32 $0x2  }
0x5: {  	s14 =	simm.s32 $0x80;
	s15 =	simm.s32 $0x2710;
	s16 =	simm.s32 $0x1  }
0x6: {  	s17 =	simm.s32 $0x10;
	s6 =	sand.u32 $0x1, s0;
	s0 =	stileid.u32  }
0x7: {  	s18 =	simm.s32 $0x2700;
	s1 =	sshll.u32 s6, $0x4;
	s8 =	smul.u32 $0x2800, s0  }
0x8: {  	s10 =	ssub.s32 $0x2, s6;
	s6 =	smul.u32 $0x50000, s6;
	s1 =	sor.u32 s0, s1  }
0x9: {  	[smem:$0x7FF] =	sst s4;
	s11 =	sshrl.u32 s10, $0x1;
	s7 =	smul.u32 $0x2710, s1  }
0xa: {  	s1 =	rddreg [dreg:$0x4];
	_ =	strace $0x80000047;
	s30 =	sadd.s32 s8, s6  }
0xb: {  	s11 =	ssub.s32 s10, s11;
	s6 =	sadd.s32 s8, s3;
	s31 =	sshrl.u32 s30, $0x3  }
0xc: {  	s11 =	smax.u32 s11, $0x1;
	s7 =	sshrl.u32 s7, $0x3;
	s9 =	sadd.s32 s9, s31  }
0xd: {  	s12 =	sadd.s32 s7, s5;
	s5 =	sadd.s32 s8, s2;
	s10 =	sadd.s32 $0x5000, s9  }
0xe: {  	v0 =	vimm.f32 $0.0e+00;
	v1 =	vimm.f32 $1.000000000e+00;
	s7 =	sadd.s32 $0xBA40, s12;
	s8 =	sadd.s32 $0x1E00, s12;
	s12 =	simm.s32 $0x2F10  }
.LBB2_1:
0xf: {  	s19 =	simm.s32 $0x0  }
.LBB2_2:
0x10: {  	p0 =	sne.s32 s19, $0x9FC0  }
.Ltmp0:
0x11: {  	_ = 	snop;
	(pc) =	sbr.rel @p0 .LBB2_2-.Ltmp0, $3  }
0x12: {  	_ =	sdelay $0x1  }
0x13: {  	s20 =	sshra.s32 s19, $0x2  }
0x14: {  	s19 =	sadd.s32 $0x40, s19;
	[tilespmem:s20+$0x2F10] =	vst v0  }
0x15: {  	s19 =	simm.s32 $0x40;
	s20 =	simm.s32 $0x0  }
.LBB2_4:
0x16: {  	p0 =	sne.s32 s19, $0x1FC0;
	[tilespmem:s20+$0x2710] =	vst v1;
	s20 =	smov.u32 s19;
	s19 =	sadd.s32 $0x40, s19  }
.Ltmp1:
0x17: {  	(pc) =	sbr.rel @p0 .LBB2_4-.Ltmp1, $2  }
0x18: {  	_ =	sdelay $0x2  }
0x19: {  	s20 =	sshra.s32 s20, $0x2  }
0x1a: {  	[tilespmem:s20+$0x2710] =	vst v1  }
0x1b: {  	[spmem:s5] =	stream.linear.scatter [tilespmem:s12], [sflag:$0x2], $0x2800, $0x38;
	[tilespmem:$0xA710] =	vst v63  }
0x1c: {  	_ =	swait.ge [sflag:s13], $0x2800  }
0x1d: {  	[sflag:s13] =	ssyncset.done $0x0  }
0x1e: {  	[sflag:s13] =	ssyncadd.s32 $0xFFFFD800  }
0x1f: {  	[spmem:s6] =	stream.linear.scatter [tilespmem:s12], [sflag:$0x2], $0x2800, $0x38;
	[tilespmem:$0xA710] =	vst v63  }
0x20: {  	_ =	swait.ge [sflag:s13], $0x2800  }
0x21: {  	[sflag:s13] =	ssyncset.done $0x0  }
0x22: {  	[sflag:s13] =	ssyncadd.s32 $0xFFFFD800  }
0x23: {  	s19 =	simm.s32 $0x0;
	[bflag:$0x0] =	sbarrier.arrive $0xFFFF  }
0x24: {  	[tilespmem:s19], [sflag:$0x2] =	stream.linear.gather [hbm4b:s7+s19], $0x2710, $0x38;
	[tilespmem:$0xA710] =	vst v63  }
0x25: {  	_ =	swait.ge [sflag:s13], $0x2710  }
0x26: {  	[sflag:s13] =	ssyncset.done $0x0  }
0x27: {  	s25 =	simm.s32 $0x0;
	[sflag:s13] =	ssyncadd.s32 $0xFFFFD8F0  }
0x28: {  	[spmem:s2] =	stream.indirect.scatter.add.f32 [tilespmem:s15], [sflag:$0x1], $0x10, s25, s14, $0xb8;
	[tilespmem:$0xA710] =	vst v63  }
0x29: {  	s26 =	simm.s32 $0x80  }
0x2a: {  	[spmem:s2] =	stream.indirect.scatter.add.f32 [tilespmem:s15], [sflag:$0x1], $0x10, s26, s14, $0xb8;
	[tilespmem:$0xA710] =	vst v63  }
0x2b: {  	s28 =	simm.s32 $0x100  }
0x2c: {  	[spmem:s2] =	stream.indirect.scatter.add.f32 [tilespmem:s15], [sflag:$0x1], $0x10, s28, s14, $0xb8;
	[tilespmem:$0xA710] =	vst v63  }
0x2d: {  	s29 =	simm.s32 $0x180  }
0x2e: {  	[spmem:s2] =	stream.indirect.scatter.add.f32 [tilespmem:s15], [sflag:$0x1], $0x10, s29, s14, $0xb8;
	[tilespmem:$0xA710] =	vst v63  }
0x2f: {  	s30 =	simm.s32 $0x200  }
0x30: {  	[spmem:s2] =	stream.indirect.scatter.add.f32 [tilespmem:s15], [sflag:$0x1], $0x10, s30, s14, $0xb8;
	[tilespmem:$0xA710] =	vst v63  }
0x31: {  	s31 =	simm.s32 $0x280  }
0x32: {  	[spmem:s2] =	stream.indirect.scatter.add.f32 [tilespmem:s15], [sflag:$0x1], $0x10, s31, s14, $0xb8;
	[tilespmem:$0xA710] =	vst v63  }
0x33: {  	_ =	swait.ge [sflag:s16], $0x800  }
0x34: {  	[sflag:s16] =	ssyncset.done $0x0  }
0x35: {  	[sflag:s16] =	ssyncadd.s32 $0xFFFFF800  }
0x36: {  	_ =	swait.ge [sflag:s16], $0x800  }
0x37: {  	[sflag:s16] =	ssyncset.done $0x0  }
0x38: {  	[sflag:s16] =	ssyncadd.s32 $0xFFFFF800  }
0x39: {  	_ =	swait.ge [sflag:s16], $0x800  }
0x3a: {  	[sflag:s16] =	ssyncset.done $0x0  }
0x3b: {  	[sflag:s16] =	ssyncadd.s32 $0xFFFFF800  }
0x3c: {  	_ =	swait.ge [sflag:s16], $0x800  }
0x3d: {  	[sflag:s16] =	ssyncset.done $0x0  }
0x3e: {  	[sflag:s16] =	ssyncadd.s32 $0xFFFFF800  }
0x3f: {  	_ =	swait.ge [sflag:s16], $0x800  }
0x40: {  	[sflag:s16] =	ssyncset.done $0x0  }
0x41: {  	[sflag:s16] =	ssyncadd.s32 $0xFFFFF800  }
0x42: {  	_ =	swait.ge [sflag:s16], $0x800  }
0x43: {  	s20 =	simm.s32 $0x1800;
	s19 =	simm.s32 $0xC00;
	[sflag:s16] =	ssyncset.done $0x0  }
.LBB2_6:
0x44: {  	s21 =	sshra.s32 s19, $0x2  }
0x45: {  	[sflag:s16] =	ssyncadd.s32 $0xFFFFF800;
	s19 =	smov.u32 s20;
	s22 =	sadd.s32 $0xC00, s20  }
0x46: {  	[spmem:s2] =	stream.indirect.scatter.add.f32 [tilespmem:s15], [sflag:$0x1], $0x10, s21, s14, $0xb8;
	[tilespmem:$0xA710] =	vst v63  }
0x47: {  	p0 =	sne.s32 s20, $0x9000;
	s20 =	sadd.s32 $0x80, s21  }
0x48: {  	[spmem:s2] =	stream.indirect.scatter.add.f32 [tilespmem:s15], [sflag:$0x1], $0x10, s20, s14, $0xb8;
	[tilespmem:$0xA710] =	vst v63  }
0x49: {  	s20 =	sadd.s32 $0x100, s21  }
0x4a: {  	[spmem:s2] =	stream.indirect.scatter.add.f32 [tilespmem:s15], [sflag:$0x1], $0x10, s20, s14, $0xb8;
	[tilespmem:$0xA710] =	vst v63  }
0x4b: {  	s20 =	sadd.s32 $0x180, s21  }
0x4c: {  	[spmem:s2] =	stream.indirect.scatter.add.f32 [tilespmem:s15], [sflag:$0x1], $0x10, s20, s14, $0xb8;
	[tilespmem:$0xA710] =	vst v63  }
0x4d: {  	s20 =	sadd.s32 $0x200, s21  }
0x4e: {  	[spmem:s2] =	stream.indirect.scatter.add.f32 [tilespmem:s15], [sflag:$0x1], $0x10, s20, s14, $0xb8;
	[tilespmem:$0xA710] =	vst v63  }
0x4f: {  	s20 =	sadd.s32 $0x280, s21  }
0x50: {  	[spmem:s2] =	stream.indirect.scatter.add.f32 [tilespmem:s15], [sflag:$0x1], $0x10, s20, s14, $0xb8;
	[tilespmem:$0xA710] =	vst v63  }
0x51: {  	_ =	swait.ge [sflag:s16], $0x800  }
0x52: {  	[sflag:s16] =	ssyncset.done $0x0  }
0x53: {  	[sflag:s16] =	ssyncadd.s32 $0xFFFFF800  }
0x54: {  	_ =	swait.ge [sflag:s16], $0x800  }
0x55: {  	[sflag:s16] =	ssyncset.done $0x0  }
0x56: {  	[sflag:s16] =	ssyncadd.s32 $0xFFFFF800  }
0x57: {  	_ =	swait.ge [sflag:s16], $0x800  }
0x58: {  	[sflag:s16] =	ssyncset.done $0x0  }
0x59: {  	[sflag:s16] =	ssyncadd.s32 $0xFFFFF800  }
0x5a: {  	_ =	swait.ge [sflag:s16], $0x800  }
0x5b: {  	[sflag:s16] =	ssyncset.done $0x0  }
0x5c: {  	[sflag:s16] =	ssyncadd.s32 $0xFFFFF800  }
.Ltmp2:
0x5d: {  	_ =	swait.ge [sflag:s16], $0x800;
	(pc) =	sbr.rel @p0 .LBB2_6-.Ltmp2, $4  }
0x5e: {  	[sflag:s16] =	ssyncset.done $0x0  }
0x5f: {  	[sflag:s16] =	ssyncadd.s32 $0xFFFFF800  }
0x60: {  	_ =	swait.ge [sflag:s16], $0x800  }
0x61: {  	s20 =	smov.u32 s22;
	[sflag:s16] =	ssyncset.done $0x0  }
0x62: {  	s19 =	sshra.s32 s19, $0x2;
	[sflag:s16] =	ssyncadd.s32 $0xFFFFF800  }
0x63: {  	[spmem:s2] =	stream.indirect.scatter.add.f32 [tilespmem:s15], [sflag:$0x1], $0x10, s19, s14, $0xb8;
	[tilespmem:$0xA710] =	vst v63  }
0x64: {  	s20 =	sadd.s32 $0x80, s19  }
0x65: {  	[spmem:s2] =	stream.indirect.scatter.add.f32 [tilespmem:s15], [sflag:$0x1], $0x10, s20, s14, $0xb8;
	[tilespmem:$0xA710] =	vst v63  }
0x66: {  	s21 =	sadd.s32 $0x100, s19  }
0x67: {  	[spmem:s2] =	stream.indirect.scatter.add.f32 [tilespmem:s15], [sflag:$0x1], $0x10, s21, s14, $0xb8;
	[tilespmem:$0xA710] =	vst v63  }
0x68: {  	s22 =	sadd.s32 $0x180, s19  }
0x69: {  	[spmem:s2] =	stream.indirect.scatter.add.f32 [tilespmem:s15], [sflag:$0x1], $0x10, s22, s14, $0xb8;
	[tilespmem:$0xA710] =	vst v63  }
0x6a: {  	s23 =	sadd.s32 $0x200, s19  }
0x6b: {  	[spmem:s2] =	stream.indirect.scatter.add.f32 [tilespmem:s15], [sflag:$0x1], $0x10, s23, s14, $0xb8;
	[tilespmem:$0xA710] =	vst v63  }
0x6c: {  	s19 =	sadd.s32 $0x280, s19  }
0x6d: {  	[spmem:s2] =	stream.indirect.scatter.add.f32 [tilespmem:s15], [sflag:$0x1], $0x10, s19, s14, $0xb8;
	[tilespmem:$0xA710] =	vst v63  }
0x6e: {  	_ =	swait.ge [sflag:s16], $0x800  }
0x6f: {  	[sflag:s16] =	ssyncset.done $0x0  }
0x70: {  	[sflag:s16] =	ssyncadd.s32 $0xFFFFF800  }
0x71: {  	_ =	swait.ge [sflag:s16], $0x800  }
0x72: {  	[sflag:s16] =	ssyncset.done $0x0  }
0x73: {  	[sflag:s16] =	ssyncadd.s32 $0xFFFFF800  }
0x74: {  	_ =	swait.ge [sflag:s16], $0x800  }
0x75: {  	[sflag:s16] =	ssyncset.done $0x0  }
0x76: {  	[sflag:s16] =	ssyncadd.s32 $0xFFFFF800  }
0x77: {  	_ =	swait.ge [sflag:s16], $0x800  }
0x78: {  	[sflag:s16] =	ssyncset.done $0x0  }
0x79: {  	[sflag:s16] =	ssyncadd.s32 $0xFFFFF800  }
0x7a: {  	_ =	swait.ge [sflag:s16], $0x800  }
0x7b: {  	[sflag:s16] =	ssyncset.done $0x0  }
0x7c: {  	[sflag:s16] =	ssyncadd.s32 $0xFFFFF800  }
0x7d: {  	_ =	swait.ge [sflag:s16], $0x800  }
0x7e: {  	[sflag:s16] =	ssyncset.done $0x0  }
0x7f: {  	[sflag:s16] =	ssyncadd.s32 $0xFFFFF800  }
0x80: {  	[spmem:s2] =	stream.indirect.scatter.add.f32 [tilespmem:s15], [sflag:$0x2], $0x10, s18, s17, $0xb8;
	[tilespmem:$0xA710] =	vst v63  }
0x81: {  	_ =	swait.ge [sflag:s13], $0x100  }
0x82: {  	[sflag:s13] =	ssyncset.done $0x0  }
0x83: {  	s24 =	simm.s32 $0x0;
	[sflag:s13] =	ssyncadd.s32 $0xFFFFFF00  }
0x84: {  	[tilespmem:s24], [sflag:$0x2] =	stream.linear.gather [hbm4b:s8+s24], $0x2710, $0x38;
	[tilespmem:$0xA710] =	vst v63  }
0x85: {  	_ =	swait.ge [sflag:s13], $0x2710  }
0x86: {  	[sflag:s13] =	ssyncset.done $0x0  }
0x87: {  	s25 =	simm.s32 $0x0;
	[sflag:s13] =	ssyncadd.s32 $0xFFFFD8F0  }
0x88: {  	[spmem:s3] =	stream.indirect.scatter.add.f32 [tilespmem:s15], [sflag:$0x1], $0x10, s25, s14, $0xb8;
	[tilespmem:$0xA710] =	vst v63  }
0x89: {  	s26 =	simm.s32 $0x80  }
0x8a: {  	[spmem:s3] =	stream.indirect.scatter.add.f32 [tilespmem:s15], [sflag:$0x1], $0x10, s26, s14, $0xb8;
	[tilespmem:$0xA710] =	vst v63  }
0x8b: {  	s28 =	simm.s32 $0x100  }
0x8c: {  	[spmem:s3] =	stream.indirect.scatter.add.f32 [tilespmem:s15], [sflag:$0x1], $0x10, s28, s14, $0xb8;
	[tilespmem:$0xA710] =	vst v63  }
0x8d: {  	s29 =	simm.s32 $0x180  }
0x8e: {  	[spmem:s3] =	stream.indirect.scatter.add.f32 [tilespmem:s15], [sflag:$0x1], $0x10, s29, s14, $0xb8;
	[tilespmem:$0xA710] =	vst v63  }
0x8f: {  	s30 =	simm.s32 $0x200  }
0x90: {  	[spmem:s3] =	stream.indirect.scatter.add.f32 [tilespmem:s15], [sflag:$0x1], $0x10, s30, s14, $0xb8;
	[tilespmem:$0xA710] =	vst v63  }
0x91: {  	s31 =	simm.s32 $0x280  }
0x92: {  	[spmem:s3] =	stream.indirect.scatter.add.f32 [tilespmem:s15], [sflag:$0x1], $0x10, s31, s14, $0xb8;
	[tilespmem:$0xA710] =	vst v63  }
0x93: {  	_ =	swait.ge [sflag:s16], $0x800  }
0x94: {  	[sflag:s16] =	ssyncset.done $0x0  }
0x95: {  	[sflag:s16] =	ssyncadd.s32 $0xFFFFF800  }
0x96: {  	_ =	swait.ge [sflag:s16], $0x800  }
0x97: {  	[sflag:s16] =	ssyncset.done $0x0  }
0x98: {  	[sflag:s16] =	ssyncadd.s32 $0xFFFFF800  }
0x99: {  	_ =	swait.ge [sflag:s16], $0x800  }
0x9a: {  	[sflag:s16] =	ssyncset.done $0x0  }
0x9b: {  	[sflag:s16] =	ssyncadd.s32 $0xFFFFF800  }
0x9c: {  	_ =	swait.ge [sflag:s16], $0x800  }
0x9d: {  	[sflag:s16] =	ssyncset.done $0x0  }
0x9e: {  	[sflag:s16] =	ssyncadd.s32 $0xFFFFF800  }
0x9f: {  	_ =	swait.ge [sflag:s16], $0x800  }
0xa0: {  	[sflag:s16] =	ssyncset.done $0x0  }
0xa1: {  	[sflag:s16] =	ssyncadd.s32 $0xFFFFF800  }
0xa2: {  	_ =	swait.ge [sflag:s16], $0x800  }
0xa3: {  	s20 =	simm.s32 $0x1800;
	s19 =	simm.s32 $0xC00;
	[sflag:s16] =	ssyncset.done $0x0  }
.LBB2_8:
0xa4: {  	s21 =	sshra.s32 s19, $0x2  }
0xa5: {  	[sflag:s16] =	ssyncadd.s32 $0xFFFFF800;
	s19 =	smov.u32 s20;
	s22 =	sadd.s32 $0xC00, s20  }
0xa6: {  	[spmem:s3] =	stream.indirect.scatter.add.f32 [tilespmem:s15], [sflag:$0x1], $0x10, s21, s14, $0xb8;
	[tilespmem:$0xA710] =	vst v63  }
0xa7: {  	p0 =	sne.s32 s20, $0x9000;
	s20 =	sadd.s32 $0x80, s21  }
0xa8: {  	[spmem:s3] =	stream.indirect.scatter.add.f32 [tilespmem:s15], [sflag:$0x1], $0x10, s20, s14, $0xb8;
	[tilespmem:$0xA710] =	vst v63  }
0xa9: {  	s20 =	sadd.s32 $0x100, s21  }
0xaa: {  	[spmem:s3] =	stream.indirect.scatter.add.f32 [tilespmem:s15], [sflag:$0x1], $0x10, s20, s14, $0xb8;
	[tilespmem:$0xA710] =	vst v63  }
0xab: {  	s20 =	sadd.s32 $0x180, s21  }
0xac: {  	[spmem:s3] =	stream.indirect.scatter.add.f32 [tilespmem:s15], [sflag:$0x1], $0x10, s20, s14, $0xb8;
	[tilespmem:$0xA710] =	vst v63  }
0xad: {  	s20 =	sadd.s32 $0x200, s21  }
0xae: {  	[spmem:s3] =	stream.indirect.scatter.add.f32 [tilespmem:s15], [sflag:$0x1], $0x10, s20, s14, $0xb8;
	[tilespmem:$0xA710] =	vst v63  }
0xaf: {  	s20 =	sadd.s32 $0x280, s21  }
0xb0: {  	[spmem:s3] =	stream.indirect.scatter.add.f32 [tilespmem:s15], [sflag:$0x1], $0x10, s20, s14, $0xb8;
	[tilespmem:$0xA710] =	vst v63  }
0xb1: {  	_ =	swait.ge [sflag:s16], $0x800  }
0xb2: {  	[sflag:s16] =	ssyncset.done $0x0  }
0xb3: {  	[sflag:s16] =	ssyncadd.s32 $0xFFFFF800  }
0xb4: {  	_ =	swait.ge [sflag:s16], $0x800  }
0xb5: {  	[sflag:s16] =	ssyncset.done $0x0  }
0xb6: {  	[sflag:s16] =	ssyncadd.s32 $0xFFFFF800  }
0xb7: {  	_ =	swait.ge [sflag:s16], $0x800  }
0xb8: {  	[sflag:s16] =	ssyncset.done $0x0  }
0xb9: {  	[sflag:s16] =	ssyncadd.s32 $0xFFFFF800  }
0xba: {  	_ =	swait.ge [sflag:s16], $0x800  }
0xbb: {  	[sflag:s16] =	ssyncset.done $0x0  }
0xbc: {  	[sflag:s16] =	ssyncadd.s32 $0xFFFFF800  }
.Ltmp3:
0xbd: {  	_ =	swait.ge [sflag:s16], $0x800;
	(pc) =	sbr.rel @p0 .LBB2_8-.Ltmp3, $4  }
0xbe: {  	[sflag:s16] =	ssyncset.done $0x0  }
0xbf: {  	[sflag:s16] =	ssyncadd.s32 $0xFFFFF800  }
0xc0: {  	_ =	swait.ge [sflag:s16], $0x800  }
0xc1: {  	s20 =	smov.u32 s22;
	[sflag:s16] =	ssyncset.done $0x0  }
0xc2: {  	s19 =	sshra.s32 s19, $0x2;
	[sflag:s16] =	ssyncadd.s32 $0xFFFFF800  }
0xc3: {  	[spmem:s3] =	stream.indirect.scatter.add.f32 [tilespmem:s15], [sflag:$0x1], $0x10, s19, s14, $0xb8;
	[tilespmem:$0xA710] =	vst v63  }
0xc4: {  	s20 =	sadd.s32 $0x80, s19  }
0xc5: {  	[spmem:s3] =	stream.indirect.scatter.add.f32 [tilespmem:s15], [sflag:$0x1], $0x10, s20, s14, $0xb8;
	[tilespmem:$0xA710] =	vst v63  }
0xc6: {  	s25 =	sadd.s32 $0x100, s19  }
0xc7: {  	[spmem:s3] =	stream.indirect.scatter.add.f32 [tilespmem:s15], [sflag:$0x1], $0x10, s25, s14, $0xb8;
	[tilespmem:$0xA710] =	vst v63  }
0xc8: {  	s26 =	sadd.s32 $0x180, s19  }
0xc9: {  	[spmem:s3] =	stream.indirect.scatter.add.f32 [tilespmem:s15], [sflag:$0x1], $0x10, s26, s14, $0xb8;
	[tilespmem:$0xA710] =	vst v63  }
0xca: {  	s28 =	sadd.s32 $0x200, s19  }
0xcb: {  	[spmem:s3] =	stream.indirect.scatter.add.f32 [tilespmem:s15], [sflag:$0x1], $0x10, s28, s14, $0xb8;
	[tilespmem:$0xA710] =	vst v63  }
0xcc: {  	s19 =	sadd.s32 $0x280, s19  }
0xcd: {  	[spmem:s3] =	stream.indirect.scatter.add.f32 [tilespmem:s15], [sflag:$0x1], $0x10, s19, s14, $0xb8;
	[tilespmem:$0xA710] =	vst v63  }
0xce: {  	_ =	swait.ge [sflag:s16], $0x800  }
0xcf: {  	[sflag:s16] =	ssyncset.done $0x0  }
0xd0: {  	[sflag:s16] =	ssyncadd.s32 $0xFFFFF800  }
0xd1: {  	_ =	swait.ge [sflag:s16], $0x800  }
0xd2: {  	[sflag:s16] =	ssyncset.done $0x0  }
0xd3: {  	[sflag:s16] =	ssyncadd.s32 $0xFFFFF800  }
0xd4: {  	_ =	swait.ge [sflag:s16], $0x800  }
0xd5: {  	[sflag:s16] =	ssyncset.done $0x0  }
0xd6: {  	[sflag:s16] =	ssyncadd.s32 $0xFFFFF800  }
0xd7: {  	_ =	swait.ge [sflag:s16], $0x800  }
0xd8: {  	[sflag:s16] =	ssyncset.done $0x0  }
0xd9: {  	[sflag:s16] =	ssyncadd.s32 $0xFFFFF800  }
0xda: {  	_ =	swait.ge [sflag:s16], $0x800  }
0xdb: {  	[sflag:s16] =	ssyncset.done $0x0  }
0xdc: {  	[sflag:s16] =	ssyncadd.s32 $0xFFFFF800  }
0xdd: {  	_ =	swait.ge [sflag:s16], $0x800  }
0xde: {  	[sflag:s16] =	ssyncset.done $0x0  }
0xdf: {  	[sflag:s16] =	ssyncadd.s32 $0xFFFFF800  }
0xe0: {  	[spmem:s3] =	stream.indirect.scatter.add.f32 [tilespmem:s15], [sflag:$0x2], $0x10, s18, s17, $0xb8;
	[tilespmem:$0xA710] =	vst v63  }
0xe1: {  	_ =	swait.ge [sflag:s13], $0x100  }
0xe2: {  	[sflag:s13] =	ssyncset.done $0x0  }
0xe3: {  	s29 =	sshll.u32 s0, $0x6;
	[sflag:s13] =	ssyncadd.s32 $0xFFFFFF00  }
0xe4: {  	s30 =	sshrl.u32 s5, $0x3;
	s19 =	sor.u32 $0x1C02, s29;
	[bflag:$0x0] =	sbarrier.arrive $0xFFFF  }
0xe5: {  	[hbm:s9], [sflag:s19] =	dma.local [spmem:s30], $0x500  }
0xe6: {  	s4 =	sadd.s32 $0x1, s4;
	_ =	swait.ge [sflag:s13], $0x500  }
0xe7: {  	p0 =	sne.s32 s4, s11;
	[sflag:s13] =	ssyncset.done $0x0  }
.Ltmp4:
0xe8: {  	s31 =	sshrl.u32 s6, $0x3;
	[sflag:s13] =	ssyncadd.s32 $0xFFFFFB00;
	(pc) =	sbr.rel @p0 .LBB2_1-.Ltmp4, $4  }
0xe9: {  	[hbm:s10], [sflag:s19] =	dma.local [spmem:s31], $0x500  }
0xea: {  	_ =	swait.ge [sflag:s13], $0x500  }
0xeb: {  	[sflag:s13] =	ssyncset.done $0x0  }
0xec: {  	[sflag:s13] =	ssyncadd.s32 $0xFFFFFB00  }
0xed: {  	_ =	sfence.sel $0x180000  }
0xee: {  	[bflag:$0x0] =	sbarrier.arrive $0xFFFF  }
0xef: {  	p0 =	sne.s32 s0, $0x0;
	_ =	strace $0x90000047  }
0xf0: {  	s0 =	sadd.s32 @!p0 $0x100000, s1;
	[bflag:$0x2] =	sbarrier.arrive $0xFFFF  }
0xf1: {  	[sflag:s0] =	ssyncadd.tile.s32 @!p0 $0x1;
	_ =	shalt  }
.Lfunc_end2:
_tile_overlayer_lowered:
.L_overlay_start_2:
0xf2: {  	(tag) =	ssettag $0x2  }
0xf3: {  	s0 =	rddreg [dreg:$0x0];
	s2 =	stileid.u32  }
0xf4: {  	s1 =	rddreg [dreg:$0x1];
	p0 =	sne.s32 s2, $0x0  }
0xf5: {  	s3 =	rddreg [dreg:$0x2];
	[bflag:$0x3] =	sbarrier.arrive $0xFFFF;
	s2 =	simm.s32 @!p0 $0x1C02  }
0xf6: {  	[timem:s3], [sflag:s2] =	dma.local @!p0 [hbm:s0], s1  }
0xf7: {  	s0 =	simm.s32 @!p0 $0x2  }
0xf8: {  	_ =	swait.ge @!p0 [sflag:s0], s1  }
0xf9: {  	s1 =	ssub.s32 @!p0 $0x0, s1;
	[sflag:s0] =	ssyncset.done @!p0 $0x0  }
0xfa: {  	[sflag:s0] =	ssyncadd.s32 @!p0 s1  }
0xfb: {  	[bflag:$0x3] =	sbarrier.arrive $0xFFFF  }
0xfc: {  	_ =	shalt  }

// kernel: kernel.9.cloned.1.call-start
scs
__scs_entry_jumppad:
0x0: {  	(pc) =	sbr.rel $0x88, $3  }
0x1: {  	(tag) =	ssettag $0x0;
	lr =	simm.s32 $0x1  }
0x2: {  	[smem:$0x3F9A] =	sst lr;
	_ =	strace $0xD0000000  }
0x3: {  	_ = 	snop  }
0x4: {  	_ = 	snop  }
0x5: {  	_ = 	snop  }
0x6: {  	_ = 	snop  }
0x7: {  	_ = 	snop  }
__scs_overlays_trampoline_lowered:
0x8: {  	[smem:$0x3FA9] =	sst s0  }
0x9: {  	[smem:$0x3FAA] =	sst s1  }
0xa: {  	[smem:$0x3FAB] =	sst s2  }
0xb: {  	[smem:$0x3FAC] =	sst s3  }
0xc: {  	[smem:$0x3FAD] =	sst s4  }
0xd: {  	[smem:$0x3FAE] =	sst s5  }
0xe: {  	[smem:$0x3FAF] =	sst s6  }
0xf: {  	[smem:$0x3FB0] =	sst s7  }
0x10: {  	[smem:$0x3FB1] =	sst s8  }
0x11: {  	[smem:$0x3FB2] =	sst s9;
	s0 =	simm.s32 @!p0 $0x0  }
0x12: {  	s1 =	sld [smem:$0x3F98];
	s0 =	simm.s32 @p0 $0x1  }
0x13: {  	[smem:$0x3FB3] =	sst s0;
	s0 =	simm.s32 @!p1 $0x0  }
0x14: {  	s2 =	sld [smem:$0x3F97];
	s0 =	simm.s32 @p1 $0x1  }
0x15: {  	[smem:$0x3FB4] =	sst s0;
	s0 =	simm.s32 @!p2 $0x0  }
0x16: {  	s3 =	sld [smem:$0x3FDB];
	s0 =	simm.s32 @p2 $0x1  }
0x17: {  	s4 =	simm.s32 $0x1BF5;
	[smem:$0x3FB6] =	sst s0  }
0x18: {  	s0 =	sld [smem:$0x3F99];
	_ =	swait.ge [sflag:s4], $0x0  }
0x19: {  	s7 =	sld [smem:$0x3F9A]  }
0x1a: {  	s8 =	sadd.s32 $0xFFFFE003, lr  }
0x1b: {  	s9 =	sadd.s32 $0xFFFFFEF7, lr;
	s5 =	simm.s32 $0xFFFFFFFF;
	p2 =	slt.u32 s8, $0xFFFFF086  }
0x1c: {  	p1 =	slt.u32 s9, $0xF7A;
	s5 =	simm.s32 @!p2 $0x0  }
0x1d: {  	s5 =	simm.s32 @p1 $0x1;
	p0 =	seq.s32 s7, s2  }
0x1e: {  	s7 =	smul.u32 @!p0 $0xF7A, s2;
	p2 =	seq.s32 @!p0 s5, $0x0  }
0x1f: {  	s9 =	smul.u32 $0xF7A, s1;
	s8 =	simm.s32 @!p0 $0x1BF5;
	p2 =	por !p2, p0  }
0x20: {  	[sflag:s8] =	ssyncset.s32 @!p0 $0xFFFFF086;
	s6 =	sadd.s32 @!p0 s3, s7;
	s7 =	simm.s32 @!p0 $0x108  }
0x21: {  	s3 =	sadd.s32 s3, s9;
	s6 =	sadd.s32 @!p0 $0x88, s6;
	s7 =	simm.s32 @p2 $0x1082  }
0x22: {  	[simem:s7], [sflag:s8] =	dma.local @!p0 [hbm:s6], $0xF7A  }
0x23: {  	s9 =	sor.u32 $0xD0000000, s2;
	s6 =	simm.s32 $0x108;
	_ =	swait.ge @!p0 [sflag:s8], $0x0  }
0x24: {  	s3 =	sadd.s32 $0x88, s3;
	s6 =	simm.s32 @!p1 $0x1082;
	[sflag:s4] =	ssyncset.s32 $0xFFFFF086  }
0x25: {  	[simem:s6], [sflag:s4] =	dma.local [hbm:s3], $0xF7A  }
0x26: {  	[smem:$0x3F9A] =	sst s1;
	(tag) =	ssettag s2;
	_ =	strace s9  }
0x27: {  	s1 =	sld [smem:$0x3FAA]  }
0x28: {  	s2 =	sld [smem:$0x3FAB]  }
0x29: {  	s4 =	sld [smem:$0x3FAD]  }
0x2a: {  	p0 =	seq.s32 s5, $0x0;
	s5 =	sld [smem:$0x3FAE]  }
0x2b: {  	s6 =	sld [smem:$0x3FAF]  }
0x2c: {  	s7 =	sld [smem:$0x3FB0]  }
0x2d: {  	s3 =	simm.s32 $0x108;
	s8 =	sld [smem:$0x3FB1]  }
0x2e: {  	s3 =	simm.s32 @!p0 $0x1082;
	s9 =	sld [smem:$0x3FB2]  }
0x2f: {  	lr =	sadd.s32 s0, s3;
	s0 =	sld [smem:$0x3FA9]  }
0x30: {  	s3 =	sld [smem:$0x3FAC]  }
0x31: {  	[smem:$0x3FB5] =	sst s10  }
0x32: {  	s10 =	sld [smem:$0x3FB3];
	_ =	sdelay $0x3  }
0x33: {  	p0 =	seq.s32 s10, $0x1;
	s10 =	sld [smem:$0x3FB5];
	_ =	sdelay $0x3  }
0x34: {  	[smem:$0x3FB5] =	sst s10  }
0x35: {  	s10 =	sld [smem:$0x3FB4];
	_ =	sdelay $0x3  }
0x36: {  	p1 =	seq.s32 s10, $0x1;
	s10 =	sld [smem:$0x3FB5];
	_ =	sdelay $0x3  }
0x37: {  	[smem:$0x3FB5] =	sst s10  }
0x38: {  	s10 =	sld [smem:$0x3FB6]  }
0x39: {  	_ = 	snop;
	(pc) =	sbr.ind lr, $3  }
0x3a: {  	_ = 	snop  }
0x3b: {  	_ = 	snop  }
0x3c: {  	p2 =	seq.s32 s10, $0x1;
	s10 =	sld [smem:$0x3FB5]  }
0x3d: {  	_ =	shalt  }
0x3e: {  	_ =	shalt  }
0x3f: {  	_ =	shalt  }
0x40: {  	_ =	shalt  }
0x41: {  	_ =	shalt  }
0x42: {  	_ =	shalt  }
0x43: {  	_ =	shalt  }
0x44: {  	_ =	shalt  }
0x45: {  	_ =	shalt  }
0x46: {  	_ =	shalt  }
0x47: {  	_ =	shalt  }
0x48: {  	_ =	shalt  }
0x49: {  	_ =	shalt  }
0x4a: {  	_ =	shalt  }
0x4b: {  	_ =	shalt  }
0x4c: {  	_ =	shalt  }
0x4d: {  	_ =	shalt  }
0x4e: {  	_ =	shalt  }
0x4f: {  	_ =	shalt  }
0x50: {  	_ =	shalt  }
0x51: {  	_ =	shalt  }
0x52: {  	_ =	shalt  }
0x53: {  	_ =	shalt  }
0x54: {  	_ =	shalt  }
0x55: {  	_ =	shalt  }
0x56: {  	_ =	shalt  }
0x57: {  	_ =	shalt  }
0x58: {  	_ =	shalt  }
0x59: {  	_ =	shalt  }
0x5a: {  	_ =	shalt  }
0x5b: {  	_ =	shalt  }
0x5c: {  	_ =	shalt  }
0x5d: {  	_ =	shalt  }
0x5e: {  	_ =	shalt  }
0x5f: {  	_ =	shalt  }
0x60: {  	_ =	shalt  }
0x61: {  	_ =	shalt  }
0x62: {  	_ =	shalt  }
0x63: {  	_ =	shalt  }
0x64: {  	_ =	shalt  }
0x65: {  	_ =	shalt  }
0x66: {  	_ =	shalt  }
0x67: {  	_ =	shalt  }
0x68: {  	_ =	shalt  }
0x69: {  	_ =	shalt  }
0x6a: {  	_ =	shalt  }
0x6b: {  	_ =	shalt  }
0x6c: {  	_ =	shalt  }
0x6d: {  	_ =	shalt  }
0x6e: {  	_ =	shalt  }
0x6f: {  	_ =	shalt  }
0x70: {  	_ =	shalt  }
0x71: {  	_ =	shalt  }
0x72: {  	_ =	shalt  }
0x73: {  	_ =	shalt  }
0x74: {  	_ =	shalt  }
0x75: {  	_ =	shalt  }
0x76: {  	_ =	shalt  }
0x77: {  	_ =	shalt  }
0x78: {  	_ =	shalt  }
0x79: {  	_ =	shalt  }
0x7a: {  	_ =	shalt  }
0x7b: {  	_ =	shalt  }
0x7c: {  	_ =	shalt  }
0x7d: {  	_ =	shalt  }
0x7e: {  	_ =	shalt  }
0x7f: {  	_ =	shalt  }
0x80: {  	_ =	shalt  }
0x81: {  	_ =	shalt  }
0x82: {  	_ =	shalt  }
0x83: {  	_ =	shalt  }
0x84: {  	_ =	shalt  }
0x85: {  	_ =	shalt  }
0x86: {  	_ =	shalt  }
0x87: {  	_ =	shalt  }
.Lfunc_end0:
.L_simem_size_0:
called_computation.1_lowered:
.L_overlay_start_0:
0x88: {  	s2 =	sld [smem:$0x3FD9]  }
0x89: {  	s3 =	sld [smem:$0x3FFE];
	_ =	sdelay $0x1  }
0x8a: {  	s1 =	srdreg.scid  }
0x8b: {  	s0 =	sand.u32 $0x1, s1  }
0x8c: {  	s17 =	sshll.u32 s0, $0xA;
	s2 =	sadd.s32 s3, s2  }
0x8d: {  	s2 =	sadd.s32 s2, s17  }
0x8e: {  	[smem:$0x3FC1] =	sst s2  }
0x8f: {  	_ = 	snop  }
0x90: {  	s2 =	sld [smem:$0x3FD0];
	(tm) =	ssettm $0x1  }
0x91: {  	s18 =	sld [smem:$0x3FFB];
	_ =	sdelay $0x3  }
0x92: {  	_ =	strace s18  }
0x93: {  	s3 =	sld [smem:$0x3FFC];
	_ =	sdelay $0x3  }
0x94: {  	_ =	strace s3  }
0x95: {  	s3 =	sld [smem:$0x3FFD];
	_ =	sdelay $0x3  }
0x96: {  	_ =	strace s3  }
0x97: {  	_ =	strace $0x8FFFFFFF  }
0x98: {  	s19 =	sld [smem:$0x3FDB];
	_ =	sdelay $0x1  }
0x99: {  	s4 =	simm.s32 $_scs_section_size  }
0x9a: {  	s5 =	simm.s32 $_size__tile_overlayer_lowered;
	s6 =	simm.s32 $_tile_overlayer_lowered  }
0x9b: {  	s22 =	simm.s32 $0x1BFF;
	s21 =	sshll.u32 s6, $0x1;
	s3 =	sadd.s32 s4, s19  }
0x9c: {  	s7 =	simm.s32 $0x0;
	s20 =	sshll.u32 s5, $0x1;
	s5 =	sadd.s32 s21, s3  }
0x9d: {  	[timem:s7], [sflag:s22] =	dma.local [hbm:s5], s20  }
0x9e: {  	_ =	swait.ge [sflag:s22], s20  }
0x9f: {  	s4 =	ssub.s32 $0x0, s20;
	[sflag:s22] =	ssyncset.done $0x0  }
0xa0: {  	[sflag:s22] =	ssyncadd.s32 s4;
	_ =	sdelay $0x1  }
0xa1: {  	s23 =	simm.s32 $0x1B8B  }
0xa2: {  	_ =	swait.ge [sflag:s23], $0x1  }
0xa3: {  	[sflag:s23] =	ssyncset.done $0x0  }
0xa4: {  	s25 =	simm.s32 $0x1B8E;
	s24 =	sld [smem:$0x3FFE];
	[sflag:s23] =	ssyncadd.s32 $0xFFFFFFFF  }
0xa5: {  	s26 =	simm.s32 $execute0_lowered;
	[smem:$0x3FD2] =	sst s25  }
0xa6: {  	s5 =	sshll.u32 s26, $0x1;
	_ =	strace $0x80000049;
	[dreg:$0x1] =	wrdreg $0xFFFFFFFF  }
0xa7: {  	s28 =	simm.s32 $_size_execute0_lowered;
	s3 =	sadd.s32 s3, s5;
	[dreg:$0x0] =	wrdreg $0x0  }
0xa8: {  	s5 =	sshll.u32 s28, $0x1;
	[dreg:$0x2] =	wrdreg s3  }
0xa9: {  	[dreg:$0x3] =	wrdreg s5  }
0xaa: {  	[dreg:$0x4] =	wrdreg $0xC0  }
0xab: {  	_ =	task [dreg:s7], $0x5FFFF  }
0xac: {  	[dreg:$0x1] =	wrdreg $0xFFFFFFFF  }
0xad: {  	[dreg:$0x0] =	wrdreg $0x60  }
0xae: {  	[dreg:$0x2] =	wrdreg s2  }
0xaf: {  	[dreg:$0x3] =	wrdreg s24  }
0xb0: {  	[dreg:$0x4] =	wrdreg $0xAE200  }
0xb1: {  	[dreg:$0x5] =	wrdreg $0x9  }
0xb2: {  	_ =	task.clear_ibuf [dreg:s7], $0x6FFFF;
	_ =	strace $0x90000049  }
0xb3: {  	s29 =	simm.s32 $0x9;
	_ =	strace $0x8000004B  }
0xb4: {  	_ =	swait.ge [sflag:s29], $0x1  }
0xb5: {  	[sflag:s29] =	ssyncadd.s32 $0xFFFFFFFF  }
0xb6: {  	_ =	strace $0x9000004B  }
0xb7: {  	_ =	sfence  }
0xb8: {  	s30 =	sld [smem:$0x0];
	_ =	sdelay $0x2  }
0xb9: {  	s31 =	sshll.u32 s1, $0xD;
	s1 =	sshrl.u32 s1, $0x2  }
0xba: {  	s3 =	sand.u32 $0x4000, s31;
	s1 =	sadd.s32 s1, s30  }
0xbb: {  	s0 =	sor.u32 s3, s0;
	s1 =	sshll.u32 s1, $0x11  }
0xbc: {  	s0 =	sor.u32 s1, s0  }
0xbd: {  	s0 =	sadd.s32 $0x8F2B, s0  }
0xbe: {  	[sflag:s0] =	ssyncadd.remote.s32 $0x1  }
0xbf: {  	_ =	sfence.sel $0xFFFF  }
0xc0: {  	[dreg:$0x0] =	wrdreg $0xFFFFFFFF;
	(pc) =	sbr.abs _section_cstart, $3  }
0xc1: {  	[dreg:$0x1] =	wrdreg $0xFFFFFFFF  }
0xc2: {  	_ =	task.clear_ibuf [dreg:s7], $0x2FFFF;
	_ =	strace $0x9FFFFFFF  }
0xc3: {  	(tm) =	ssettm $0x7FFFFFFF  }
tec
execute0_lowered:
.L_overlay_start_1:
0x0: {  	(tag) =	ssettag $0x1  }
0x1: {  	s1 =	rddreg [dreg:$0x0]  }
0x2: {  	s0 =	srdreg.scid;
	s5 =	rddreg [dreg:$0x1]  }
0x3: {  	s4 =	stileid.u32;
	s3 =	rddreg [dreg:$0x2]  }
0x4: {  	s7 =	simm.s32 $0x0;
	s15 =	simm.s32 $0x2;
	s17 =	simm.s32 $0x8E20  }
0x5: {  	s18 =	simm.s32 $0x80;
	s19 =	simm.s32 $0x4E20;
	s20 =	simm.s32 $0x6E20  }
0x6: {  	s21 =	simm.s32 $0x1;
	s22 =	simm.s32 $0x2680;
	s23 =	simm.s32 $0x4D10  }
0x7: {  	s24 =	simm.s32 $0x4D90;
	s28 =	simm.s32 $0x4E10;
	s29 =	simm.s32 $0x8  }
0x8: {  	s30 =	simm.s32 $0x0;
	s0 =	sand.u32 $0x1, s0;
	s25 =	smul.u32 $0x14000, s4  }
0x9: {  	[smem:$0x7FF] =	sst s7;
	s8 =	smul.u32 $0x28000, s4;
	s2 =	sshll.u32 s0, $0x4  }
0xa: {  	s6 =	smul.u32 $0x140000, s0;
	_ =	strace $0x8000004A;
	s0 =	ssub.s32 $0x2, s0  }
0xb: {  	s2 =	sor.u32 s4, s2;
	s26 =	sshrl.u32 s0, $0x1;
	s8 =	sshrl.u32 s8, $0x2  }
0xc: {  	s2 =	smul.u32 $0x2710, s2;
	s6 =	sadd.s32 s25, s6;
	s0 =	ssub.s32 s0, s26  }
0xd: {  	s25 =	simm.s32 $0x10;
	s26 =	simm.s32 $0x2700;
	s6 =	sshrl.u32 s6, $0x3  }
0xe: {  	s14 =	smax.u32 s0, $0x1;
	s2 =	sshrl.u32 s2, $0x3;
	s13 =	sadd.s32 s6, s5  }
0xf: {  	s2 =	sadd.s32 s2, s5;
	s5 =	sadd.s32 s8, s3;
	s12 =	sadd.s32 $0xB5800, s13  }
0x10: {  	s13 =	sadd.s32 $0xB5808, s13;
	s31 =	sadd.s32 $0x1E00, s2;
	s2 =	sadd.s32 $0xBA40, s2  }
0x11: {  	s8 =	sadd.s32 $0x2000, s5;
	s9 =	sadd.s32 $0x4000, s5;
	[dreg:$0x4] =	wrdreg s31  }
0x12: {  	v0 =	vimm.f32 $0.0e+00;
	s10 =	sadd.s32 $0x6000, s5;
	s11 =	sadd.s32 $0x8000, s5;
	[dreg:$0x5] =	wrdreg s2  }
.LBB2_1:
0x13: {  	s0 =	simm.s32 $0x0;
	s2 =	rddreg [dreg:$0x4]  }
0x14: {  	[tilespmem:s0], [sflag:$0x2] =	stream.linear.gather [hbm4b:s2+s0], $0x2710, $0x38;
	[tilespmem:$0x14E20] =	vst v63  }
0x15: {  	_ =	swait.ge [sflag:s15], $0x2710  }
0x16: {  	[sflag:s15] =	ssyncset.done $0x0  }
0x17: {  	s4 =	simm.s32 $0x2710;
	s31 =	rddreg [dreg:$0x5];
	[sflag:s15] =	ssyncadd.s32 $0xFFFFD8F0  }
0x18: {  	[tilespmem:s4], [sflag:$0x2] =	stream.linear.gather [hbm4b:s31+s0], $0x2710, $0x38;
	[tilespmem:$0x14E20] =	vst v63  }
0x19: {  	_ =	swait.ge [sflag:s15], $0x2710  }
0x1a: {  	[sflag:s15] =	ssyncset.done $0x0  }
0x1b: {  	s2 =	simm.s32 $0x0;
	s0 =	simm.s32 $0x40;
	[sflag:s15] =	ssyncadd.s32 $0xFFFFD8F0  }
.LBB2_2:
0x1c: {  	p0 =	sne.s32 s0, $0x9C00;
	v1 =	vld [tilespmem:s2+$0x0];
	_ =	sdelay $0x1  }
.Ltmp0:
0x1d: {  	(pc) =	sbr.rel @p0 .LBB2_2-.Ltmp0, $3  }
0x1e: {  	_ =	sdelay $0x1  }
0x1f: {  	v1 =	vshll.u32 v1, $0x1  }
0x20: {  	[tilespmem:s2+$0x0] =	vst v1;
	s2 =	sshra.s32 s0, $0x2;
	s0 =	sadd.s32 $0x40, s0  }
0x21: {  	v1 =	vld [tilespmem:s2+$0x0];
	_ =	sdelay $0x4  }
0x22: {  	v1 =	vshll.u32 v1, $0x1  }
0x23: {  	s16 =	simm.s32 $0x100;
	[tilespmem:s2+$0x0] =	vst v1;
	s2 =	simm.s32 $0x0  }
.LBB2_4:
0x24: {  	p0 =	sne.s32 s16, $0x7F00;
	[tilespmem:s2+$0x8E50] =	vst v0;
	s0 =	smov.u32 s16;
	s16 =	sadd.s32 $0x100, s16  }
.Ltmp1:
0x25: {  	[tilespmem:s2+$0x8E40] =	vst v0;
	(pc) =	sbr.rel @p0 .LBB2_4-.Ltmp1, $3  }
0x26: {  	[tilespmem:s2+$0x8E20] =	vst v0  }
0x27: {  	[tilespmem:s2+$0x8E30] =	vst v0;
	_ =	sdelay $0x1  }
0x28: {  	s2 =	sshra.s32 s0, $0x2  }
0x29: {  	[tilespmem:s2+$0x8E50] =	vst v0  }
0x2a: {  	[tilespmem:s2+$0x8E40] =	vst v0  }
0x2b: {  	[tilespmem:s2+$0x8E20] =	vst v0  }
0x2c: {  	[tilespmem:s2+$0x8E30] =	vst v0  }
0x2d: {  	[spmem:s5] =	stream.linear.scatter [tilespmem:s17], [sflag:$0x2], $0x2000, $0x38;
	[tilespmem:$0x14E20] =	vst v63  }
0x2e: {  	_ =	swait.ge [sflag:s15], $0x2000  }
0x2f: {  	[sflag:s15] =	ssyncset.done $0x0  }
0x30: {  	[sflag:s15] =	ssyncadd.s32 $0xFFFFE000  }
0x31: {  	[spmem:s8] =	stream.linear.scatter [tilespmem:s17], [sflag:$0x2], $0x2000, $0x38;
	[tilespmem:$0x14E20] =	vst v63  }
0x32: {  	_ =	swait.ge [sflag:s15], $0x2000  }
0x33: {  	[sflag:s15] =	ssyncset.done $0x0  }
0x34: {  	[sflag:s15] =	ssyncadd.s32 $0xFFFFE000  }
0x35: {  	[spmem:s9] =	stream.linear.scatter [tilespmem:s17], [sflag:$0x2], $0x2000, $0x38;
	[tilespmem:$0x14E20] =	vst v63  }
0x36: {  	_ =	swait.ge [sflag:s15], $0x2000  }
0x37: {  	[sflag:s15] =	ssyncset.done $0x0  }
0x38: {  	[sflag:s15] =	ssyncadd.s32 $0xFFFFE000  }
0x39: {  	[spmem:s10] =	stream.linear.scatter [tilespmem:s17], [sflag:$0x2], $0x2000, $0x38;
	[tilespmem:$0x14E20] =	vst v63  }
0x3a: {  	_ =	swait.ge [sflag:s15], $0x2000  }
0x3b: {  	[sflag:s15] =	ssyncset.done $0x0  }
0x3c: {  	[sflag:s15] =	ssyncadd.s32 $0xFFFFE000  }
0x3d: {  	[spmem:s11] =	stream.linear.scatter [tilespmem:s17], [sflag:$0x2], $0x2000, $0x38;
	[tilespmem:$0x14E20] =	vst v63  }
0x3e: {  	_ =	swait.ge [sflag:s15], $0x2000  }
0x3f: {  	[sflag:s15] =	ssyncset.done $0x0  }
0x40: {  	[sflag:s15] =	ssyncadd.s32 $0xFFFFE000  }
0x41: {  	s0 =	simm.s32 $0x0;
	[bflag:$0x0] =	sbarrier.arrive $0xFFFF  }
0x42: {  	[tilespmem:s19], [sflag:$0x1] =	stream.indirect.gather [hbm4b:s1+s18], $0x40, s0, s18, $0xb8;
	[tilespmem:$0x14E20] =	vst v63  }
0x43: {  	s6 =	simm.s32 $0x80  }
0x44: {  	[tilespmem:s20], [sflag:$0x1] =	stream.indirect.gather [hbm4b:s1+s18], $0x40, s6, s18, $0xb8;
	[tilespmem:$0x14E20] =	vst v63  }
0x45: {  	_ =	swait.ge [sflag:s21], $0x2000  }
0x46: {  	[sflag:s21] =	ssyncset.done $0x0  }
0x47: {  	s7 =	simm.s32 $0x2710;
	[sflag:s21] =	ssyncadd.s32 $0xFFFFE000  }
0x48: {  	[spmem:s3] =	stream.indirect.scatter.add.f32 [tilespmem:s19], [sflag:$0x2], $0x40, s7, s18, $0xb8;
	[tilespmem:$0x14E20] =	vst v63  }
0x49: {  	_ =	swait.ge [sflag:s15], $0x2000  }
0x4a: {  	[sflag:s15] =	ssyncset.done $0x0  }
0x4b: {  	s16 =	simm.s32 $0x100;
	[sflag:s15] =	ssyncadd.s32 $0xFFFFE000  }
0x4c: {  	[tilespmem:s19], [sflag:$0x1] =	stream.indirect.gather [hbm4b:s1+s18], $0x40, s16, s18, $0xb8;
	[tilespmem:$0x14E20] =	vst v63  }
0x4d: {  	_ =	swait.ge [sflag:s21], $0x2000  }
0x4e: {  	[sflag:s21] =	ssyncset.done $0x0  }
0x4f: {  	s31 =	simm.s32 $0x2790;
	[sflag:s21] =	ssyncadd.s32 $0xFFFFE000  }
0x50: {  	[spmem:s3] =	stream.indirect.scatter.add.f32 [tilespmem:s20], [sflag:$0x2], $0x40, s31, s18, $0xb8;
	[tilespmem:$0x14E20] =	vst v63  }
0x51: {  	_ =	swait.ge [sflag:s15], $0x2000  }
0x52: {  	s2 =	simm.s32 $0x100;
	s0 =	simm.s32 $0x800;
	[sflag:s15] =	ssyncset.done $0x0  }
.LBB2_6:
0x53: {  	s16 =	sadd.s32 $0x80, s2  }
0x54: {  	[sflag:s15] =	ssyncadd.s32 $0xFFFFE000;
	s31 =	smov.u32 s0;
	s4 =	sadd.s32 $0x400, s0  }
0x55: {  	[tilespmem:s20], [sflag:$0x1] =	stream.indirect.gather [hbm4b:s1+s18], $0x40, s16, s18, $0xb8;
	[tilespmem:$0x14E20] =	vst v63  }
0x56: {  	p0 =	sne.s32 s0, $0x9400;
	_ =	swait.ge [sflag:s21], $0x2000  }
0x57: {  	[sflag:s21] =	ssyncset.done $0x0  }
0x58: {  	s0 =	sadd.s32 $0x2710, s2;
	[sflag:s21] =	ssyncadd.s32 $0xFFFFE000  }
0x59: {  	[spmem:s3] =	stream.indirect.scatter.add.f32 [tilespmem:s19], [sflag:$0x2], $0x40, s0, s18, $0xb8;
	[tilespmem:$0x14E20] =	vst v63  }
0x5a: {  	_ =	swait.ge [sflag:s15], $0x2000  }
0x5b: {  	[sflag:s15] =	ssyncset.done $0x0  }
0x5c: {  	s0 =	sadd.s32 $0x100, s2;
	[sflag:s15] =	ssyncadd.s32 $0xFFFFE000  }
0x5d: {  	[tilespmem:s19], [sflag:$0x1] =	stream.indirect.gather [hbm4b:s1+s18], $0x40, s0, s18, $0xb8;
	[tilespmem:$0x14E20] =	vst v63  }
0x5e: {  	_ =	swait.ge [sflag:s21], $0x2000  }
.Ltmp2:
0x5f: {  	[sflag:s21] =	ssyncset.done $0x0;
	(pc) =	sbr.rel @p0 .LBB2_6-.Ltmp2, $4  }
0x60: {  	s0 =	sadd.s32 $0x2790, s2;
	[sflag:s21] =	ssyncadd.s32 $0xFFFFE000  }
0x61: {  	[spmem:s3] =	stream.indirect.scatter.add.f32 [tilespmem:s20], [sflag:$0x2], $0x40, s0, s18, $0xb8;
	[tilespmem:$0x14E20] =	vst v63  }
0x62: {  	_ =	swait.ge [sflag:s15], $0x2000  }
0x63: {  	s2 =	sshra.s32 s31, $0x2;
	s0 =	smov.u32 s4;
	[sflag:s15] =	ssyncset.done $0x0  }
0x64: {  	s0 =	sadd.s32 $0x80, s2;
	[sflag:s15] =	ssyncadd.s32 $0xFFFFE000  }
0x65: {  	[tilespmem:s20], [sflag:$0x1] =	stream.indirect.gather [hbm4b:s1+s18], $0x40, s0, s18, $0xb8;
	[tilespmem:$0x14E20] =	vst v63  }
0x66: {  	_ =	swait.ge [sflag:s21], $0x2000  }
0x67: {  	[sflag:s21] =	ssyncset.done $0x0  }
0x68: {  	s4 =	sadd.s32 $0x2710, s2;
	[sflag:s21] =	ssyncadd.s32 $0xFFFFE000  }
0x69: {  	[spmem:s3] =	stream.indirect.scatter.add.f32 [tilespmem:s19], [sflag:$0x2], $0x40, s4, s18, $0xb8;
	[tilespmem:$0x14E20] =	vst v63  }
0x6a: {  	_ =	swait.ge [sflag:s15], $0x2000  }
0x6b: {  	[sflag:s15] =	ssyncset.done $0x0  }
0x6c: {  	s6 =	sadd.s32 $0x100, s2;
	[sflag:s15] =	ssyncadd.s32 $0xFFFFE000  }
0x6d: {  	[tilespmem:s19], [sflag:$0x1] =	stream.indirect.gather [hbm4b:s1+s18], $0x40, s6, s18, $0xb8;
	[tilespmem:$0x14E20] =	vst v63  }
0x6e: {  	_ =	swait.ge [sflag:s21], $0x2000  }
0x6f: {  	[sflag:s21] =	ssyncset.done $0x0  }
0x70: {  	s7 =	sadd.s32 $0x2790, s2;
	[sflag:s21] =	ssyncadd.s32 $0xFFFFE000  }
0x71: {  	[spmem:s3] =	stream.indirect.scatter.add.f32 [tilespmem:s20], [sflag:$0x2], $0x40, s7, s18, $0xb8;
	[tilespmem:$0x14E20] =	vst v63  }
0x72: {  	_ =	swait.ge [sflag:s15], $0x2000  }
0x73: {  	[sflag:s15] =	ssyncset.done $0x0  }
0x74: {  	[sflag:s15] =	ssyncadd.s32 $0xFFFFE000  }
0x75: {  	[tilespmem:s20], [sflag:$0x1] =	stream.indirect.gather [hbm4b:s1+s18], $0x40, s22, s18, $0xb8;
	[tilespmem:$0x14E20] =	vst v63  }
0x76: {  	_ =	swait.ge [sflag:s21], $0x2000  }
0x77: {  	[sflag:s21] =	ssyncset.done $0x0  }
0x78: {  	[sflag:s21] =	ssyncadd.s32 $0xFFFFE000  }
0x79: {  	[spmem:s3] =	stream.indirect.scatter.add.f32 [tilespmem:s19], [sflag:$0x2], $0x40, s23, s18, $0xb8;
	[tilespmem:$0x14E20] =	vst v63  }
0x7a: {  	_ =	swait.ge [sflag:s15], $0x2000  }
0x7b: {  	[sflag:s15] =	ssyncset.done $0x0  }
0x7c: {  	[sflag:s15] =	ssyncadd.s32 $0xFFFFE000  }
0x7d: {  	_ =	swait.ge [sflag:s21], $0x2000  }
0x7e: {  	[sflag:s21] =	ssyncset.done $0x0  }
0x7f: {  	[sflag:s21] =	ssyncadd.s32 $0xFFFFE000  }
0x80: {  	[spmem:s3] =	stream.indirect.scatter.add.f32 [tilespmem:s20], [sflag:$0x2], $0x40, s24, s18, $0xb8;
	[tilespmem:$0x14E20] =	vst v63  }
0x81: {  	_ =	swait.ge [sflag:s15], $0x2000  }
0x82: {  	[sflag:s15] =	ssyncset.done $0x0  }
0x83: {  	[sflag:s15] =	ssyncadd.s32 $0xFFFFE000  }
0x84: {  	[tilespmem:s19], [sflag:$0x2] =	stream.indirect.gather [hbm4b:s1+s25], $0x40, s26, s25, $0xb8;
	[tilespmem:$0x14E20] =	vst v63  }
0x85: {  	_ =	swait.ge [sflag:s15], $0x400  }
0x86: {  	[sflag:s15] =	ssyncset.done $0x0  }
0x87: {  	[sflag:s15] =	ssyncadd.s32 $0xFFFFFC00  }
0x88: {  	[spmem:s3] =	stream.indirect.scatter.add.f32 [tilespmem:s19], [sflag:$0x2], $0x40, s28, s25, $0xb8;
	[tilespmem:$0x14E20] =	vst v63  }
0x89: {  	_ =	swait.ge [sflag:s15], $0x400  }
0x8a: {  	s16 =	stileid.u32;
	[sflag:s15] =	ssyncset.done $0x0  }
0x8b: {  	s0 =	sshll.u32 s16, $0x6;
	[sflag:s15] =	ssyncadd.s32 $0xFFFFFC00  }
0x8c: {  	s2 =	sshrl.u32 s5, $0x3;
	s31 =	sor.u32 $0x1C02, s0;
	[bflag:$0x0] =	sbarrier.arrive $0xFFFF  }
0x8d: {  	[hbm:s12@s25], [sflag:s31] =	dma.strided [spmem:s2@s29], $0x1400, s21, $0x8   }
0x8e: {  	_ =	swait.ge [sflag:s15], $0x1400  }
0x8f: {  	[sflag:s15] =	ssyncset.done $0x0  }
0x90: {  	[sflag:s15] =	ssyncadd.s32 $0xFFFFEC00  }
0x91: {  	s16 =	simm.s32 $0x0;
	s0 =	simm.s32 $0x40;
	[bflag:$0x0] =	sbarrier.arrive $0xFFFF  }
.LBB2_8:
0x92: {  	p0 =	sne.s32 s0, $0x9C00;
	v1 =	vld [tilespmem:s16+$0x0];
	_ =	sdelay $0x1  }
.Ltmp3:
0x93: {  	(pc) =	sbr.rel @p0 .LBB2_8-.Ltmp3, $3  }
0x94: {  	_ =	sdelay $0x1  }
0x95: {  	v1 =	vadd.s32 $0x1, v1  }
0x96: {  	[tilespmem:s16+$0x0] =	vst v1;
	s16 =	sshra.s32 s0, $0x2;
	s0 =	sadd.s32 $0x40, s0  }
0x97: {  	v1 =	vld [tilespmem:s16+$0x0];
	_ =	sdelay $0x4  }
0x98: {  	v1 =	vadd.s32 $0x1, v1  }
0x99: {  	s0 =	simm.s32 $0x100;
	[tilespmem:s16+$0x0] =	vst v1;
	s16 =	simm.s32 $0x0  }
.LBB2_10:
0x9a: {  	p0 =	sne.s32 s0, $0x7F00;
	[tilespmem:s16+$0x8E50] =	vst v0;
	s4 =	smov.u32 s0;
	s0 =	sadd.s32 $0x100, s0  }
.Ltmp4:
0x9b: {  	[tilespmem:s16+$0x8E40] =	vst v0;
	(pc) =	sbr.rel @p0 .LBB2_10-.Ltmp4, $3  }
0x9c: {  	[tilespmem:s16+$0x8E20] =	vst v0  }
0x9d: {  	[tilespmem:s16+$0x8E30] =	vst v0;
	_ =	sdelay $0x1  }
0x9e: {  	s16 =	sshra.s32 s4, $0x2  }
0x9f: {  	[tilespmem:s16+$0x8E50] =	vst v0  }
0xa0: {  	[tilespmem:s16+$0x8E40] =	vst v0  }
0xa1: {  	[tilespmem:s16+$0x8E20] =	vst v0  }
0xa2: {  	[tilespmem:s16+$0x8E30] =	vst v0  }
0xa3: {  	[spmem:s5] =	stream.linear.scatter [tilespmem:s17], [sflag:$0x2], $0x2000, $0x38;
	[tilespmem:$0x14E20] =	vst v63  }
0xa4: {  	_ =	swait.ge [sflag:s15], $0x2000  }
0xa5: {  	[sflag:s15] =	ssyncset.done $0x0  }
0xa6: {  	[sflag:s15] =	ssyncadd.s32 $0xFFFFE000  }
0xa7: {  	[spmem:s8] =	stream.linear.scatter [tilespmem:s17], [sflag:$0x2], $0x2000, $0x38;
	[tilespmem:$0x14E20] =	vst v63  }
0xa8: {  	_ =	swait.ge [sflag:s15], $0x2000  }
0xa9: {  	[sflag:s15] =	ssyncset.done $0x0  }
0xaa: {  	[sflag:s15] =	ssyncadd.s32 $0xFFFFE000  }
0xab: {  	[spmem:s9] =	stream.linear.scatter [tilespmem:s17], [sflag:$0x2], $0x2000, $0x38;
	[tilespmem:$0x14E20] =	vst v63  }
0xac: {  	_ =	swait.ge [sflag:s15], $0x2000  }
0xad: {  	[sflag:s15] =	ssyncset.done $0x0  }
0xae: {  	[sflag:s15] =	ssyncadd.s32 $0xFFFFE000  }
0xaf: {  	[spmem:s10] =	stream.linear.scatter [tilespmem:s17], [sflag:$0x2], $0x2000, $0x38;
	[tilespmem:$0x14E20] =	vst v63  }
0xb0: {  	_ =	swait.ge [sflag:s15], $0x2000  }
0xb1: {  	[sflag:s15] =	ssyncset.done $0x0  }
0xb2: {  	[sflag:s15] =	ssyncadd.s32 $0xFFFFE000  }
0xb3: {  	[spmem:s11] =	stream.linear.scatter [tilespmem:s17], [sflag:$0x2], $0x2000, $0x38;
	[tilespmem:$0x14E20] =	vst v63  }
0xb4: {  	_ =	swait.ge [sflag:s15], $0x2000  }
0xb5: {  	[sflag:s15] =	ssyncset.done $0x0  }
0xb6: {  	[sflag:s15] =	ssyncadd.s32 $0xFFFFE000  }
0xb7: {  	s0 =	simm.s32 $0x0;
	[bflag:$0x0] =	sbarrier.arrive $0xFFFF  }
0xb8: {  	[tilespmem:s19], [sflag:$0x1] =	stream.indirect.gather [hbm4b:s1+s18], $0x40, s0, s18, $0xb8;
	[tilespmem:$0x14E20] =	vst v63  }
0xb9: {  	s4 =	simm.s32 $0x80  }
0xba: {  	[tilespmem:s20], [sflag:$0x1] =	stream.indirect.gather [hbm4b:s1+s18], $0x40, s4, s18, $0xb8;
	[tilespmem:$0x14E20] =	vst v63  }
0xbb: {  	_ =	swait.ge [sflag:s21], $0x2000  }
0xbc: {  	[sflag:s21] =	ssyncset.done $0x0  }
0xbd: {  	s6 =	simm.s32 $0x2710;
	[sflag:s21] =	ssyncadd.s32 $0xFFFFE000  }
0xbe: {  	[spmem:s3] =	stream.indirect.scatter.add.f32 [tilespmem:s19], [sflag:$0x2], $0x40, s6, s18, $0xb8;
	[tilespmem:$0x14E20] =	vst v63  }
0xbf: {  	_ =	swait.ge [sflag:s15], $0x2000  }
0xc0: {  	[sflag:s15] =	ssyncset.done $0x0  }
0xc1: {  	s7 =	simm.s32 $0x100;
	[sflag:s15] =	ssyncadd.s32 $0xFFFFE000  }
0xc2: {  	[tilespmem:s19], [sflag:$0x1] =	stream.indirect.gather [hbm4b:s1+s18], $0x40, s7, s18, $0xb8;
	[tilespmem:$0x14E20] =	vst v63  }
0xc3: {  	_ =	swait.ge [sflag:s21], $0x2000  }
0xc4: {  	[sflag:s21] =	ssyncset.done $0x0  }
0xc5: {  	s16 =	simm.s32 $0x2790;
	[sflag:s21] =	ssyncadd.s32 $0xFFFFE000  }
0xc6: {  	[spmem:s3] =	stream.indirect.scatter.add.f32 [tilespmem:s20], [sflag:$0x2], $0x40, s16, s18, $0xb8;
	[tilespmem:$0x14E20] =	vst v63  }
0xc7: {  	_ =	swait.ge [sflag:s15], $0x2000  }
0xc8: {  	s0 =	simm.s32 $0x800;
	s16 =	simm.s32 $0x100;
	[sflag:s15] =	ssyncset.done $0x0  }
.LBB2_12:
0xc9: {  	s4 =	sadd.s32 $0x80, s16  }
0xca: {  	[sflag:s15] =	ssyncadd.s32 $0xFFFFE000;
	s6 =	smov.u32 s0;
	s7 =	sadd.s32 $0x400, s0  }
0xcb: {  	[tilespmem:s20], [sflag:$0x1] =	stream.indirect.gather [hbm4b:s1+s18], $0x40, s4, s18, $0xb8;
	[tilespmem:$0x14E20] =	vst v63  }
0xcc: {  	p0 =	sne.s32 s0, $0x9400;
	_ =	swait.ge [sflag:s21], $0x2000  }
0xcd: {  	[sflag:s21] =	ssyncset.done $0x0  }
0xce: {  	s0 =	sadd.s32 $0x2710, s16;
	[sflag:s21] =	ssyncadd.s32 $0xFFFFE000  }
0xcf: {  	[spmem:s3] =	stream.indirect.scatter.add.f32 [tilespmem:s19], [sflag:$0x2], $0x40, s0, s18, $0xb8;
	[tilespmem:$0x14E20] =	vst v63  }
0xd0: {  	_ =	swait.ge [sflag:s15], $0x2000  }
0xd1: {  	[sflag:s15] =	ssyncset.done $0x0  }
0xd2: {  	s0 =	sadd.s32 $0x100, s16;
	[sflag:s15] =	ssyncadd.s32 $0xFFFFE000  }
0xd3: {  	[tilespmem:s19], [sflag:$0x1] =	stream.indirect.gather [hbm4b:s1+s18], $0x40, s0, s18, $0xb8;
	[tilespmem:$0x14E20] =	vst v63  }
0xd4: {  	_ =	swait.ge [sflag:s21], $0x2000  }
.Ltmp5:
0xd5: {  	[sflag:s21] =	ssyncset.done $0x0;
	(pc) =	sbr.rel @p0 .LBB2_12-.Ltmp5, $4  }
0xd6: {  	s0 =	sadd.s32 $0x2790, s16;
	[sflag:s21] =	ssyncadd.s32 $0xFFFFE000  }
0xd7: {  	[spmem:s3] =	stream.indirect.scatter.add.f32 [tilespmem:s20], [sflag:$0x2], $0x40, s0, s18, $0xb8;
	[tilespmem:$0x14E20] =	vst v63  }
0xd8: {  	_ =	swait.ge [sflag:s15], $0x2000  }
0xd9: {  	s16 =	sshra.s32 s6, $0x2;
	s0 =	smov.u32 s7;
	[sflag:s15] =	ssyncset.done $0x0  }
0xda: {  	s0 =	sadd.s32 $0x80, s16;
	[sflag:s15] =	ssyncadd.s32 $0xFFFFE000  }
0xdb: {  	[tilespmem:s20], [sflag:$0x1] =	stream.indirect.gather [hbm4b:s1+s18], $0x40, s0, s18, $0xb8;
	[tilespmem:$0x14E20] =	vst v63  }
0xdc: {  	_ =	swait.ge [sflag:s21], $0x2000  }
0xdd: {  	[sflag:s21] =	ssyncset.done $0x0  }
0xde: {  	s6 =	sadd.s32 $0x2710, s16;
	[sflag:s21] =	ssyncadd.s32 $0xFFFFE000  }
0xdf: {  	[spmem:s3] =	stream.indirect.scatter.add.f32 [tilespmem:s19], [sflag:$0x2], $0x40, s6, s18, $0xb8;
	[tilespmem:$0x14E20] =	vst v63  }
0xe0: {  	_ =	swait.ge [sflag:s15], $0x2000  }
0xe1: {  	[sflag:s15] =	ssyncset.done $0x0  }
0xe2: {  	s7 =	sadd.s32 $0x100, s16;
	[sflag:s15] =	ssyncadd.s32 $0xFFFFE000  }
0xe3: {  	[tilespmem:s19], [sflag:$0x1] =	stream.indirect.gather [hbm4b:s1+s18], $0x40, s7, s18, $0xb8;
	[tilespmem:$0x14E20] =	vst v63  }
0xe4: {  	_ =	swait.ge [sflag:s21], $0x2000  }
0xe5: {  	[sflag:s21] =	ssyncset.done $0x0  }
0xe6: {  	s16 =	sadd.s32 $0x2790, s16;
	[sflag:s21] =	ssyncadd.s32 $0xFFFFE000  }
0xe7: {  	[spmem:s3] =	stream.indirect.scatter.add.f32 [tilespmem:s20], [sflag:$0x2], $0x40, s16, s18, $0xb8;
	[tilespmem:$0x14E20] =	vst v63  }
0xe8: {  	_ =	swait.ge [sflag:s15], $0x2000  }
0xe9: {  	[sflag:s15] =	ssyncset.done $0x0  }
0xea: {  	[sflag:s15] =	ssyncadd.s32 $0xFFFFE000  }
0xeb: {  	[tilespmem:s20], [sflag:$0x1] =	stream.indirect.gather [hbm4b:s1+s18], $0x40, s22, s18, $0xb8;
	[tilespmem:$0x14E20] =	vst v63  }
0xec: {  	_ =	swait.ge [sflag:s21], $0x2000  }
0xed: {  	[sflag:s21] =	ssyncset.done $0x0  }
0xee: {  	[sflag:s21] =	ssyncadd.s32 $0xFFFFE000  }
0xef: {  	[spmem:s3] =	stream.indirect.scatter.add.f32 [tilespmem:s19], [sflag:$0x2], $0x40, s23, s18, $0xb8;
	[tilespmem:$0x14E20] =	vst v63  }
0xf0: {  	_ =	swait.ge [sflag:s15], $0x2000  }
0xf1: {  	[sflag:s15] =	ssyncset.done $0x0  }
0xf2: {  	[sflag:s15] =	ssyncadd.s32 $0xFFFFE000  }
0xf3: {  	_ =	swait.ge [sflag:s21], $0x2000  }
0xf4: {  	[sflag:s21] =	ssyncset.done $0x0  }
0xf5: {  	[sflag:s21] =	ssyncadd.s32 $0xFFFFE000  }
0xf6: {  	[spmem:s3] =	stream.indirect.scatter.add.f32 [tilespmem:s20], [sflag:$0x2], $0x40, s24, s18, $0xb8;
	[tilespmem:$0x14E20] =	vst v63  }
0xf7: {  	_ =	swait.ge [sflag:s15], $0x2000  }
0xf8: {  	[sflag:s15] =	ssyncset.done $0x0  }
0xf9: {  	[sflag:s15] =	ssyncadd.s32 $0xFFFFE000  }
0xfa: {  	[tilespmem:s19], [sflag:$0x2] =	stream.indirect.gather [hbm4b:s1+s25], $0x40, s26, s25, $0xb8;
	[tilespmem:$0x14E20] =	vst v63  }
0xfb: {  	_ =	swait.ge [sflag:s15], $0x400  }
0xfc: {  	[sflag:s15] =	ssyncset.done $0x0  }
0xfd: {  	[sflag:s15] =	ssyncadd.s32 $0xFFFFFC00  }
0xfe: {  	[spmem:s3] =	stream.indirect.scatter.add.f32 [tilespmem:s19], [sflag:$0x2], $0x40, s28, s25, $0xb8;
	[tilespmem:$0x14E20] =	vst v63  }
0xff: {  	_ =	swait.ge [sflag:s15], $0x400  }
0x100: {  	[sflag:s15] =	ssyncset.done $0x0  }
0x101: {  	s30 =	sadd.s32 $0x1, s30;
	[sflag:s15] =	ssyncadd.s32 $0xFFFFFC00  }
0x102: {  	p0 =	sne.s32 s30, s14;
	[bflag:$0x0] =	sbarrier.arrive $0xFFFF  }
0x103: {  	[hbm:s13@s25], [sflag:s31] =	dma.strided [spmem:s2@s29], $0x1400, s21, $0x8   }
.Ltmp6:
0x104: {  	_ =	swait.ge [sflag:s15], $0x1400;
	(pc) =	sbr.rel @p0 .LBB2_1-.Ltmp6, $3  }
0x105: {  	[sflag:s15] =	ssyncset.done $0x0  }
0x106: {  	[sflag:s15] =	ssyncadd.s32 $0xFFFFEC00  }
0x107: {  	[bflag:$0x0] =	sbarrier.arrive $0xFFFF;
	_ =	sdelay $0x1  }
0x108: {  	_ =	sfence.sel $0x180000  }
0x109: {  	[bflag:$0x0] =	sbarrier.arrive $0xFFFF  }
0x10a: {  	_ =	strace $0x9000004A  }
0x10b: {  	s0 =	stileid.u32;
	[bflag:$0x2] =	sbarrier.arrive $0xFFFF  }
0x10c: {  	p0 =	sne.s32 s0, $0x0;
	s0 =	rddreg [dreg:$0x3]  }
0x10d: {  	s0 =	sadd.s32 @!p0 $0x100000, s0  }
0x10e: {  	[sflag:s0] =	ssyncadd.tile.s32 @!p0 $0x1;
	_ =	shalt  }
.Lfunc_end2:
_tile_overlayer_lowered:
.L_overlay_start_2:
0x10f: {  	(tag) =	ssettag $0x2  }
0x110: {  	s0 =	rddreg [dreg:$0x0];
	s2 =	stileid.u32  }
0x111: {  	s1 =	rddreg [dreg:$0x1];
	p0 =	sne.s32 s2, $0x0  }
0x112: {  	s3 =	rddreg [dreg:$0x2];
	[bflag:$0x3] =	sbarrier.arrive $0xFFFF;
	s2 =	simm.s32 @!p0 $0x1C02  }
0x113: {  	[timem:s3], [sflag:s2] =	dma.local @!p0 [hbm:s0], s1  }
0x114: {  	s0 =	simm.s32 @!p0 $0x2  }
0x115: {  	_ =	swait.ge @!p0 [sflag:s0], s1  }
0x116: {  	s1 =	ssub.s32 @!p0 $0x0, s1;
	[sflag:s0] =	ssyncset.done @!p0 $0x0  }
0x117: {  	[sflag:s0] =	ssyncadd.s32 @!p0 s1  }
0x118: {  	[bflag:$0x3] =	sbarrier.arrive $0xFFFF  }
0x119: {  	_ =	shalt  }

</sc_bundles>
